<compile_context>
chip_gen: v7x
topology: tpu7x:2x2x1
jax: 0.10.2.dev20260603
libtpu: 0.0.44.dev20260713+nightly
codegen_flags: <defaults>
</compile_context>

<pallas_src>
import functools

import jax
import jax.numpy as jnp
from jax import lax
from jax.experimental import pallas as pl
from jax.experimental.pallas import tpu as pltpu
from jax.experimental.pallas import tpu_sc as plsc

NUM_SEG = 1024
N_ROWS = 320000
D = 128
NC = 2
NS = 16
NW = NC * NS

R_SC = 245760
CHUNK = R_SC // NW
BLK = 240
NRING = 2
NBLK = CHUNK // BLK
PAD = 16
NVEC = CHUNK // 16
STRIPE = NUM_SEG // NS

BLK_TC = 1280
OFF_TC = R_SC // BLK_TC
NB_TC = (N_ROWS - R_SC) // BLK_TC


def _sc_body(x_hbm, ids_hbm, out_acc, out_cnt,
             ids_v, buf0, buf1, bpos, flushb, cflush, idx1, zbuf,
             sacc, scnt, sem_i, sem0, sem1):
    cid = lax.axis_index("c")
    sid = lax.axis_index("s")
    w = cid * NS + sid
    z16 = jnp.zeros((16,), jnp.float32)
    row0 = w * CHUNK

    def _blk_src(i):
        return x_hbm.at[pl.ds(row0 + i * BLK, BLK)]

    bufs = (buf0, buf1)
    sems = (sem0, sem1)

    ids_cp = pltpu.async_copy(ids_hbm.at[pl.ds(row0, CHUNK)],
                              ids_v.at[pl.ds(PAD, CHUNK)], sem_i)
    for p in range(NRING - 1):
        pltpu.async_copy(_blk_src(p), bufs[p], sems[p])

    def _z(r, carry):
        for j in range(D // 16):
            zbuf[r, pl.ds(j * 16, 16)] = z16
        return carry

    lax.fori_loop(0, STRIPE, _z, 0)
    pltpu.sync_copy(zbuf, sacc.at[pl.ds(sid * STRIPE, STRIPE)])
    pltpu.sync_copy(zbuf, scnt.at[pl.ds(sid * STRIPE, STRIPE)])
    plsc.subcore_barrier()

    ids_cp.wait()
    iota16 = lax.iota(jnp.int32, 16)
    lane0 = iota16 == 0
    first = ids_v[pl.ds(PAD, 16)][0]
    plsc.store_scatter(ids_v, [jnp.broadcast_to(jnp.int32(PAD - 1), (16,))],
                       jnp.broadcast_to(first - 1, (16,)), mask=lane0)

    def _scan(i, off):
        base = i * 16
        c = ids_v[pl.ds(base + PAD, 16)]
        p = ids_v[pl.ds(base + PAD - 1, 16)]
        m = c != p
        m32 = m.astype(jnp.int32)
        excl = plsc.cumsum(m32) - m32
        plsc.store_scatter(bpos, [off + excl], base + iota16, mask=m)
        return off + jnp.sum(m32)

    nb = lax.fori_loop(0, NVEC, _scan, jnp.int32(0))
    plsc.store_scatter(bpos, [jnp.broadcast_to(nb, (16,))],
                       jnp.broadcast_to(jnp.int32(CHUNK), (16,)), mask=lane0)

    def _flush(rs, re, acc):
        for j in range(D // 16):
            flushb[0, pl.ds(j * 16, 16)] = acc[j]
        cnt = jnp.broadcast_to((re - rs).astype(jnp.float32), (16,))
        for j in range(D // 16):
            cflush[0, pl.ds(j * 16, 16)] = cnt
        seg = ids_v[pl.ds(rs + PAD, 16)][0]
        plsc.store_scatter(idx1, [jnp.zeros((16,), jnp.int32)],
                           jnp.broadcast_to(seg, (16,)), mask=lane0)
        pltpu.sync_copy(flushb, sacc.at[idx1], add=True)
        pltpu.sync_copy(cflush, scnt.at[idx1], add=True)

    def _process(i, buf, st):
        lo = i * BLK
        hi = lo + BLK

        def _cond(s):
            return s[1] < hi

        def _piece(s):
            k, pos = s[0], s[1]
            acc = s[2:]
            bv = bpos[pl.ds(k, 16)]
            rs, re = bv[0], bv[1]
            pe = jnp.minimum(re, hi)

            @plsc.parallel_loop(pos, pe, carry=acc, unroll=4)
            def acc(r, a):
                return tuple(a[j] + buf[r - lo, pl.ds(j * 16, 16)]
                             for j in range(D // 16))

            run_done = pe == re

            def _tb(a):
                _flush(rs, re, a)
                return tuple(z16 for _ in range(D // 16))

            acc = lax.cond(run_done, _tb, lambda a: a, acc)
            k = jnp.where(run_done, k + 1, k)
            return (k, pe) + acc

        return lax.while_loop(_cond, _piece, st)

    def _phase(i, p, st):
        pltpu.make_async_copy(_blk_src(i), bufs[p], sems[p]).wait()
        pn = (p + NRING - 1) % NRING

        @pl.when(i + NRING - 1 < NBLK)
        def _start_next():
            pltpu.async_copy(_blk_src(i + NRING - 1), bufs[pn], sems[pn])

        return _process(i, bufs[p], st)

    def _round(g, st):
        for p in range(NRING):
            st = _phase(g * NRING + p, p, st)
        return st

    st0 = (jnp.int32(0), jnp.int32(0)) + tuple(z16 for _ in range(D // 16))
    lax.fori_loop(0, NBLK // NRING, _round, st0)
    plsc.subcore_barrier()

    pltpu.sync_copy(sacc.at[pl.ds(sid * STRIPE, STRIPE)], zbuf)
    pltpu.sync_copy(zbuf, out_acc.at[cid, pl.ds(sid * STRIPE, STRIPE)])
    pltpu.sync_copy(scnt.at[pl.ds(sid * STRIPE, STRIPE)], zbuf)
    pltpu.sync_copy(zbuf, out_cnt.at[cid, pl.ds(sid * STRIPE, STRIPE)])


_sc_pool = pl.kernel(
    _sc_body,
    out_type=(
        jax.ShapeDtypeStruct((NC, NUM_SEG, D), jnp.float32),
        jax.ShapeDtypeStruct((NC, NUM_SEG, D), jnp.float32),
    ),
    mesh=plsc.VectorSubcoreMesh(core_axis_name="c", subcore_axis_name="s"),
    compiler_params=pltpu.CompilerParams(needs_layout_passes=False),
    scratch_types=[
        pltpu.VMEM((CHUNK + PAD + 16,), jnp.int32),
        pltpu.VMEM((BLK, D), jnp.float32),
        pltpu.VMEM((BLK, D), jnp.float32),
        pltpu.VMEM((NUM_SEG + 48,), jnp.int32),
        pltpu.VMEM((1, D), jnp.float32),
        pltpu.VMEM((1, D), jnp.float32),
        pltpu.VMEM((1,), jnp.int32),
        pltpu.VMEM((STRIPE, D), jnp.float32),
        pltpu.VMEM_SHARED((NUM_SEG, D), jnp.float32),
        pltpu.VMEM_SHARED((NUM_SEG, D), jnp.float32),
        pltpu.SemaphoreType.DMA,
        pltpu.SemaphoreType.DMA,
        pltpu.SemaphoreType.DMA,
    ],
)


def _tc_body(ids_ref, x_ref, oa_ref, oc_ref, acc_ref, cnt_ref):
    i = pl.program_id(0)

    @pl.when(i == 0)
    def _init():
        acc_ref[...] = jnp.zeros_like(acc_ref)
        cnt_ref[...] = jnp.zeros_like(cnt_ref)

    ids = ids_ref[0, 0, :]
    seg = jax.lax.broadcasted_iota(jnp.int32, (NUM_SEG, BLK_TC), 0)
    onehot = (seg == ids[None, :]).astype(jnp.float32)
    acc_ref[...] += jax.lax.dot(
        onehot, x_ref[...], preferred_element_type=jnp.float32
    )
    cnt_ref[...] += jnp.sum(onehot, axis=1, keepdims=True)

    @pl.when(i == NB_TC - 1)
    def _fin():
        oa_ref[...] = acc_ref[...]
        oc_ref[...] = jnp.broadcast_to(cnt_ref[...], (NUM_SEG, D))


_tc_partial = pl.pallas_call(
    _tc_body,
    grid=(NB_TC,),
    in_specs=[
        pl.BlockSpec((1, 1, BLK_TC), lambda i: (OFF_TC + i, 0, 0)),
        pl.BlockSpec((BLK_TC, D), lambda i: (OFF_TC + i, 0)),
    ],
    out_specs=[
        pl.BlockSpec((NUM_SEG, D), lambda i: (0, 0)),
        pl.BlockSpec((NUM_SEG, D), lambda i: (0, 0)),
    ],
    out_shape=[
        jax.ShapeDtypeStruct((NUM_SEG, D), jnp.float32),
        jax.ShapeDtypeStruct((NUM_SEG, D), jnp.float32),
    ],
    scratch_shapes=[
        pltpu.VMEM((NUM_SEG, D), jnp.float32),
        pltpu.VMEM((NUM_SEG, 1), jnp.float32),
    ],
)


def _combine_body(a_ref, c_ref, at_ref, ct_ref, o_ref):
    a = a_ref[0] + a_ref[1] + at_ref[...]
    c = c_ref[0] + c_ref[1] + ct_ref[...]
    o_ref[...] = a / jnp.maximum(c, 1.0)


@jax.jit
def _pool(X, ids):
    acc_sc, cnt_sc = _sc_pool(X, ids)
    ids3 = ids.reshape(N_ROWS // BLK_TC, 1, BLK_TC)
    acc_tc, cnt_tc = _tc_partial(ids3, X)
    return pl.pallas_call(
        _combine_body,
        out_shape=jax.ShapeDtypeStruct((NUM_SEG, D), jnp.float32),
    )(acc_sc, cnt_sc, acc_tc, cnt_tc)


def kernel(filtre, X, node_indicator):
    return (filtre, _pool(X, node_indicator.astype(jnp.int32)))

# --- scband reference (transcript-rebuilt; emitter-appended) ---
"""Pipeline reference for scband-simple-pool-30047591202900 (READ-ONLY COPY).

The authoritative reference and input builder live on the scoring server;
editing this copy changes nothing except your own understanding.
"""

import jax, jax.numpy as jnp
import numpy as np

NUM_SEGMENTS = 1024

def setup_inputs(seed: int = 0) -> dict:
    key = jax.random.key(seed)
    k1, k2, k3 = jax.random.split(key, 3)
    filtre = jax.random.normal(k1, (1024, 1024), dtype=jnp.float32)
    X = jax.random.normal(k2, (320000, 128), dtype=jnp.float32)
    node_indicator = jnp.sort(jax.random.randint(k3, (320000,), 0, NUM_SEGMENTS, dtype=jnp.int64))
    return {"filtre": filtre, "X": X, "node_indicator": node_indicator}

def reference(filtre, X, node_indicator):
    # SimplePool(mode='mean', batch_size=1024):
    #   filtre is passed through unchanged; X is segment-mean pooled by node_indicator.
    sums = jax.ops.segment_sum(X, node_indicator, num_segments=NUM_SEGMENTS)
    counts = jax.ops.segment_sum(jnp.ones((X.shape[0],), dtype=X.dtype), node_indicator, num_segments=NUM_SEGMENTS)
    pooled = sums / jnp.clip(counts, 1.0, None)[:, None]
    return (filtre, pooled)

if __name__ == "__main__":
    import jax
    _d = setup_inputs()
    print(jax.jit(kernel)(*tuple(_d.values())))

</pallas_src>

<mosaic_0001>
#map = affine_map<(d0, d1) -> (0, 0)>
#map1 = affine_map<(d0, d1) -> (0)>
#map2 = affine_map<(d0, d1) -> (0, 0, 0)>
module attributes {stable_mosaic.version = 14 : i64} {
  func.func @_sc_body(%arg0: i32, %arg1: i32, %arg2: memref<320000x128xf32, #tpu.memory_space<hbm>>, %arg3: memref<320000xi32, #tpu.memory_space<hbm>>, %arg4: memref<2x1024x128xf32, #tpu.memory_space<hbm>>, %arg5: memref<2x1024x128xf32, #tpu.memory_space<hbm>>, %arg6: memref<7712xi32, #tpu.memory_space<vmem>>, %arg7: memref<240x128xf32, #tpu.memory_space<vmem>>, %arg8: memref<240x128xf32, #tpu.memory_space<vmem>>, %arg9: memref<1072xi32, #tpu.memory_space<vmem>>, %arg10: memref<1x128xf32, #tpu.memory_space<vmem>>, %arg11: memref<1x128xf32, #tpu.memory_space<vmem>>, %arg12: memref<1xi32, #tpu.memory_space<vmem>>, %arg13: memref<64x128xf32, #tpu.memory_space<vmem>>, %arg14: memref<1024x128xf32, #tpu.memory_space<vmem_shared>>, %arg15: memref<1024x128xf32, #tpu.memory_space<vmem_shared>>, %arg16: memref<!tpu.dma_semaphore, #tpu.memory_space<semaphore_mem>>, %arg17: memref<!tpu.dma_semaphore, #tpu.memory_space<semaphore_mem>>, %arg18: memref<!tpu.dma_semaphore, #tpu.memory_space<semaphore_mem>>) attributes {dimension_semantics = [#tpu.dimension_semantics<core_parallel>, #tpu.dimension_semantics<subcore_parallel>], iteration_bounds = array<i64: 2, 16>, scalar_prefetch = 0 : i64, scratch_operands = 13 : i64, tpu.core_type = #tpu.core_type<sc_vector_subcore>, window_params = [{transform_indices = #map}, {transform_indices = #map1}, {transform_indices = #map2}, {transform_indices = #map2}]} {
    %mul3A = arith.constant 16 : i32
    %mul3A_0 = arith.muli %arg0, %mul3A : i32
    %add3A = arith.addi %mul3A_0, %arg1 : i32
    %broadcast_in_dim3A = arith.constant 0.000000e+00 : f32
    %broadcast_in_dim3A_1 = vector.broadcast %broadcast_in_dim3A : f32 to vector<16xf32>
    %mul3A_2 = arith.constant 7680 : i32
    %mul3A_3 = arith.muli %add3A, %mul3A_2 : i32
    %dma_start3A = arith.constant 16 : i32
    %dma_start3A_4 = tpu.memref_slice %arg6[%dma_start3A] : memref<7712xi32, #tpu.memory_space<vmem>> -> memref<7680xi32, #tpu.memory_space<vmem>>
    %dma_start3A_5 = tpu.memref_slice %arg3[%mul3A_3] : memref<320000xi32, #tpu.memory_space<hbm>> -> memref<7680xi32, #tpu.memory_space<hbm>>
    %dma_start3A_6 = arith.constant 16 : i32
    %dma_start3A_7 = tpu.memref_slice %arg6[%dma_start3A_6] : memref<7712xi32, #tpu.memory_space<vmem>> -> memref<7680xi32, #tpu.memory_space<vmem>>
    %dma_start3A_8 = tpu.memref_slice %arg3[%mul3A_3] : memref<320000xi32, #tpu.memory_space<hbm>> -> memref<7680xi32, #tpu.memory_space<hbm>>
    tpu.enqueue_dma source(%dma_start3A_8 : memref<7680xi32, #tpu.memory_space<hbm>>) target(%dma_start3A_7 : memref<7680xi32, #tpu.memory_space<vmem>>) target_semaphore(%arg16 : memref<!tpu.dma_semaphore, #tpu.memory_space<semaphore_mem>>)
    %add3A_9 = arith.constant 0 : i32
    %add3A_10 = arith.addi %mul3A_3, %add3A_9 : i32
    %dma_start3A_11 = arith.constant 0 : i32
    %dma_start3A_12 = tpu.memref_slice %arg2[%add3A_10, %dma_start3A_11] : memref<320000x128xf32, #tpu.memory_space<hbm>> -> memref<240x128xf32, #tpu.memory_space<hbm>>
    %dma_start3A_13 = arith.constant 0 : i32
    %dma_start3A_14 = tpu.memref_slice %arg2[%add3A_10, %dma_start3A_13] : memref<320000x128xf32, #tpu.memory_space<hbm>> -> memref<240x128xf32, #tpu.memory_space<hbm>>
    tpu.enqueue_dma source(%dma_start3A_14 : memref<240x128xf32, #tpu.memory_space<hbm>>) target(%arg7 : memref<240x128xf32, #tpu.memory_space<vmem>>) target_semaphore(%arg17 : memref<!tpu.dma_semaphore, #tpu.memory_space<semaphore_mem>>)
    %scan3A = arith.constant 0 : i32
    %scan3A_15 = arith.constant 0 : i32
    %scan3A_16 = arith.constant 64 : i32
    %scan3A_17 = arith.addi %scan3A_15, %scan3A_16 : i32
    %scan3A_18 = arith.constant 1 : i32
    scf.for %scan3A_63 = %scan3A_15 to %scan3A_17 step %scan3A_18  : i32 {
      %swap3A = arith.index_cast %scan3A_63 : i32 to index
      %swap3A_64 = arith.constant 0 : index
      %swap3A_65 = tpu.vector_load %arg13[%swap3A, %swap3A_64] {strides = array<i32>} : memref<64x128xf32, #tpu.memory_space<vmem>>, vector<16xf32>,
      tpu.vector_store %arg13[%swap3A, %swap3A_64], %broadcast_in_dim3A_1 {strides = array<i32>} : memref<64x128xf32, #tpu.memory_space<vmem>>, vector<16xf32>,
      %swap3A_66 = arith.index_cast %scan3A_63 : i32 to index
      %swap3A_67 = arith.constant 16 : index
      %swap3A_68 = tpu.vector_load %arg13[%swap3A_66, %swap3A_67] {strides = array<i32>} : memref<64x128xf32, #tpu.memory_space<vmem>>, vector<16xf32>,
      tpu.vector_store %arg13[%swap3A_66, %swap3A_67], %broadcast_in_dim3A_1 {strides = array<i32>} : memref<64x128xf32, #tpu.memory_space<vmem>>, vector<16xf32>,
      %swap3A_69 = arith.index_cast %scan3A_63 : i32 to index
      %swap3A_70 = arith.constant 32 : index
      %swap3A_71 = tpu.vector_load %arg13[%swap3A_69, %swap3A_70] {strides = array<i32>} : memref<64x128xf32, #tpu.memory_space<vmem>>, vector<16xf32>,
      tpu.vector_store %arg13[%swap3A_69, %swap3A_70], %broadcast_in_dim3A_1 {strides = array<i32>} : memref<64x128xf32, #tpu.memory_space<vmem>>, vector<16xf32>,
      %swap3A_72 = arith.index_cast %scan3A_63 : i32 to index
      %swap3A_73 = arith.constant 48 : index
      %swap3A_74 = tpu.vector_load %arg13[%swap3A_72, %swap3A_73] {strides = array<i32>} : memref<64x128xf32, #tpu.memory_space<vmem>>, vector<16xf32>,
      tpu.vector_store %arg13[%swap3A_72, %swap3A_73], %broadcast_in_dim3A_1 {strides = array<i32>} : memref<64x128xf32, #tpu.memory_space<vmem>>, vector<16xf32>,
      %swap3A_75 = arith.index_cast %scan3A_63 : i32 to index
      %swap3A_76 = arith.constant 64 : index
      %swap3A_77 = tpu.vector_load %arg13[%swap3A_75, %swap3A_76] {strides = array<i32>} : memref<64x128xf32, #tpu.memory_space<vmem>>, vector<16xf32>,
      tpu.vector_store %arg13[%swap3A_75, %swap3A_76], %broadcast_in_dim3A_1 {strides = array<i32>} : memref<64x128xf32, #tpu.memory_space<vmem>>, vector<16xf32>,
      %swap3A_78 = arith.index_cast %scan3A_63 : i32 to index
      %swap3A_79 = arith.constant 80 : index
      %swap3A_80 = tpu.vector_load %arg13[%swap3A_78, %swap3A_79] {strides = array<i32>} : memref<64x128xf32, #tpu.memory_space<vmem>>, vector<16xf32>,
      tpu.vector_store %arg13[%swap3A_78, %swap3A_79], %broadcast_in_dim3A_1 {strides = array<i32>} : memref<64x128xf32, #tpu.memory_space<vmem>>, vector<16xf32>,
      %swap3A_81 = arith.index_cast %scan3A_63 : i32 to index
      %swap3A_82 = arith.constant 96 : index
      %swap3A_83 = tpu.vector_load %arg13[%swap3A_81, %swap3A_82] {strides = array<i32>} : memref<64x128xf32, #tpu.memory_space<vmem>>, vector<16xf32>,
      tpu.vector_store %arg13[%swap3A_81, %swap3A_82], %broadcast_in_dim3A_1 {strides = array<i32>} : memref<64x128xf32, #tpu.memory_space<vmem>>, vector<16xf32>,
      %swap3A_84 = arith.index_cast %scan3A_63 : i32 to index
      %swap3A_85 = arith.constant 112 : index
      %swap3A_86 = tpu.vector_load %arg13[%swap3A_84, %swap3A_85] {strides = array<i32>} : memref<64x128xf32, #tpu.memory_space<vmem>>, vector<16xf32>,
      tpu.vector_store %arg13[%swap3A_84, %swap3A_85], %broadcast_in_dim3A_1 {strides = array<i32>} : memref<64x128xf32, #tpu.memory_space<vmem>>, vector<16xf32>,
    }
    %scan3A_19 = arith.constant 64 : i32
    %mul3A_20 = arith.constant 64 : i32
    %mul3A_21 = arith.muli %arg1, %mul3A_20 : i32
    "tpu.region"() ({
      %run_scoped3A = tpu.sem_alloc : memref<!tpu.dma_semaphore, #tpu.memory_space<semaphore_mem>>
      %dma_start3A_63 = arith.constant 0 : i32
      %dma_start3A_64 = tpu.memref_slice %arg14[%mul3A_21, %dma_start3A_63] : memref<1024x128xf32, #tpu.memory_space<vmem_shared>> -> memref<64x128xf32, #tpu.memory_space<vmem_shared>>
      %dma_start3A_65 = arith.constant 0 : i32
      %dma_start3A_66 = tpu.memref_slice %arg14[%mul3A_21, %dma_start3A_65] : memref<1024x128xf32, #tpu.memory_space<vmem_shared>> -> memref<64x128xf32, #tpu.memory_space<vmem_shared>>
      tpu.enqueue_dma source(%arg13 : memref<64x128xf32, #tpu.memory_space<vmem>>) target(%dma_start3A_66 : memref<64x128xf32, #tpu.memory_space<vmem_shared>>) target_semaphore(%run_scoped3A : memref<!tpu.dma_semaphore, #tpu.memory_space<semaphore_mem>>)
      %dma_wait3A_67 = arith.constant 0 : i32
      %dma_wait3A_68 = tpu.memref_slice %arg14[%mul3A_21, %dma_wait3A_67] : memref<1024x128xf32, #tpu.memory_space<vmem_shared>> -> memref<64x128xf32, #tpu.memory_space<vmem_shared>>
      %dma_wait3A_69 = arith.constant 0 : i32
      %dma_wait3A_70 = tpu.memref_slice %arg14[%mul3A_21, %dma_wait3A_69] : memref<1024x128xf32, #tpu.memory_space<vmem_shared>> -> memref<64x128xf32, #tpu.memory_space<vmem_shared>>
      tpu.wait_dma2 semaphore(%run_scoped3A : memref<!tpu.dma_semaphore, #tpu.memory_space<semaphore_mem>>) src(%arg13 : memref<64x128xf32, #tpu.memory_space<vmem>>) dst(%dma_wait3A_70 : memref<64x128xf32, #tpu.memory_space<vmem_shared>>)
      tpu.yield
    }) : () -> ()
    %mul3A_22 = arith.constant 64 : i32
    %mul3A_23 = arith.muli %arg1, %mul3A_22 : i32
    "tpu.region"() ({
      %run_scoped3A = tpu.sem_alloc : memref<!tpu.dma_semaphore, #tpu.memory_space<semaphore_mem>>
      %dma_start3A_63 = arith.constant 0 : i32
      %dma_start3A_64 = tpu.memref_slice %arg15[%mul3A_23, %dma_start3A_63] : memref<1024x128xf32, #tpu.memory_space<vmem_shared>> -> memref<64x128xf32, #tpu.memory_space<vmem_shared>>
      %dma_start3A_65 = arith.constant 0 : i32
      %dma_start3A_66 = tpu.memref_slice %arg15[%mul3A_23, %dma_start3A_65] : memref<1024x128xf32, #tpu.memory_space<vmem_shared>> -> memref<64x128xf32, #tpu.memory_space<vmem_shared>>
      tpu.enqueue_dma source(%arg13 : memref<64x128xf32, #tpu.memory_space<vmem>>) target(%dma_start3A_66 : memref<64x128xf32, #tpu.memory_space<vmem_shared>>) target_semaphore(%run_scoped3A : memref<!tpu.dma_semaphore, #tpu.memory_space<semaphore_mem>>)
      %dma_wait3A_67 = arith.constant 0 : i32
      %dma_wait3A_68 = tpu.memref_slice %arg15[%mul3A_23, %dma_wait3A_67] : memref<1024x128xf32, #tpu.memory_space<vmem_shared>> -> memref<64x128xf32, #tpu.memory_space<vmem_shared>>
      %dma_wait3A_69 = arith.constant 0 : i32
      %dma_wait3A_70 = tpu.memref_slice %arg15[%mul3A_23, %dma_wait3A_69] : memref<1024x128xf32, #tpu.memory_space<vmem_shared>> -> memref<64x128xf32, #tpu.memory_space<vmem_shared>>
      tpu.wait_dma2 semaphore(%run_scoped3A : memref<!tpu.dma_semaphore, #tpu.memory_space<semaphore_mem>>) src(%arg13 : memref<64x128xf32, #tpu.memory_space<vmem>>) dst(%dma_wait3A_70 : memref<64x128xf32, #tpu.memory_space<vmem_shared>>)
      tpu.yield
    }) : () -> ()
    %barrier3A = arith.constant 0 : index
    tpu.barrier barrier_id(%barrier3A)
    %dma_wait3A = arith.constant 16 : i32
    %dma_wait3A_24 = tpu.memref_slice %arg6[%dma_wait3A] : memref<7712xi32, #tpu.memory_space<vmem>> -> memref<7680xi32, #tpu.memory_space<vmem>>
    %dma_wait3A_25 = tpu.memref_slice %arg3[%mul3A_3] : memref<320000xi32, #tpu.memory_space<hbm>> -> memref<7680xi32, #tpu.memory_space<hbm>>
    %dma_wait3A_26 = arith.constant 16 : i32
    %dma_wait3A_27 = tpu.memref_slice %arg6[%dma_wait3A_26] : memref<7712xi32, #tpu.memory_space<vmem>> -> memref<7680xi32, #tpu.memory_space<vmem>>
    %dma_wait3A_28 = tpu.memref_slice %arg3[%mul3A_3] : memref<320000xi32, #tpu.memory_space<hbm>> -> memref<7680xi32, #tpu.memory_space<hbm>>
    tpu.wait_dma2 semaphore(%arg16 : memref<!tpu.dma_semaphore, #tpu.memory_space<semaphore_mem>>) src(%dma_wait3A_28 : memref<7680xi32, #tpu.memory_space<hbm>>) dst(%dma_wait3A_27 : memref<7680xi32, #tpu.memory_space<vmem>>)
    %iota3A = tpu.iota {dimensions = array<i32: 0>} : vector<16xi32>
    %eq3A = arith.constant 0 : i32
    %eq3A_29 = vector.broadcast %eq3A : i32 to vector<16xi32>
    %eq3A_30 = arith.cmpi eq, %iota3A, %eq3A_29 : vector<16xi32>
    %get3A = arith.constant 16 : index
    %get3A_31 = tpu.vector_load %arg6[%get3A] {strides = array<i32>} : memref<7712xi32, #tpu.memory_space<vmem>>, vector<16xi32>,
    %slice3A = vector.extract_strided_slice %get3A_31 {offsets = [0], sizes = [1], strides = [1]} : vector<16xi32> to vector<1xi32>
    %squeeze3A = vector.extract %slice3A[0] : i32 from vector<1xi32>
    %broadcast_in_dim3A_32 = arith.constant 15 : i32
    %broadcast_in_dim3A_33 = vector.broadcast %broadcast_in_dim3A_32 : i32 to vector<16xi32>
    %sub3A = arith.constant 1 : i32
    %sub3A_34 = arith.subi %squeeze3A, %sub3A : i32
    %broadcast_in_dim3A_35 = vector.broadcast %sub3A_34 : i32 to vector<16xi32>
    tpu.vector_store_idx %arg6[%broadcast_in_dim3A_33], %broadcast_in_dim3A_35 masked %eq3A_30 : memref<7712xi32, #tpu.memory_space<vmem>>[vector<16xi32>], vector<16xi32>, vector<16xi1>
    %scan3A_36 = arith.constant 0 : i32
    %scan3A_37 = arith.constant 0 : i32
    %scan3A_38 = arith.constant 480 : i32
    %scan3A_39 = arith.addi %scan3A_37, %scan3A_38 : i32
    %scan3A_40 = arith.constant 1 : i32
    %scan3A_41 = scf.for %scan3A_63 = %scan3A_37 to %scan3A_39 step %scan3A_40 iter_args(%scan3A_64 = %scan3A_36) -> (i32)  : i32 {
      %mul3A_65 = arith.constant 16 : i32
      %mul3A_66 = arith.muli %scan3A_63, %mul3A_65 : i32
      %add3A_67 = arith.constant 16 : i32
      %add3A_68 = arith.addi %mul3A_66, %add3A_67 : i32
      %get3A_69 = arith.index_cast %add3A_68 : i32 to index
      %get3A_70 = tpu.vector_load %arg6[%get3A_69] {strides = array<i32>} : memref<7712xi32, #tpu.memory_space<vmem>>, vector<16xi32>,
      %add3A_71 = arith.constant 16 : i32
      %add3A_72 = arith.addi %mul3A_66, %add3A_71 : i32
      %sub3A_73 = arith.constant 1 : i32
      %sub3A_74 = arith.subi %add3A_72, %sub3A_73 : i32
      %get3A_75 = arith.index_cast %sub3A_74 : i32 to index
      %get3A_76 = tpu.vector_load %arg6[%get3A_75] {strides = array<i32>} : memref<7712xi32, #tpu.memory_space<vmem>>, vector<16xi32>,
      %ne3A = arith.cmpi ne, %get3A_70, %get3A_76 : vector<16xi32>
      %convert_element_type3A = arith.extui %ne3A : vector<16xi1> to vector<16xi32>
      %broadcast_in_dim3A_77 = arith.constant true
      %broadcast_in_dim3A_78 = vector.broadcast %broadcast_in_dim3A_77 : i1 to vector<16xi1>
      %masked_cumsum3A = tpu.scan <sum>, %convert_element_type3A masked %broadcast_in_dim3A_78 : vector<16xi32>, vector<16xi1> -> vector<16xi32>
      %sub3A_79 = arith.subi %masked_cumsum3A, %convert_element_type3A : vector<16xi32>
      %add3A_80 = vector.broadcast %scan3A_64 : i32 to vector<16xi32>
      %add3A_81 = arith.addi %add3A_80, %sub3A_79 : vector<16xi32>
      %add3A_82 = vector.broadcast %mul3A_66 : i32 to vector<16xi32>
      %add3A_83 = arith.addi %add3A_82, %iota3A : vector<16xi32>
      tpu.vector_store_idx %arg9[%add3A_81], %add3A_83 masked %ne3A : memref<1072xi32, #tpu.memory_space<vmem>>[vector<16xi32>], vector<16xi32>, vector<16xi1>
      %reduce_sum3A = arith.constant true
      %reduce_sum3A_84 = vector.broadcast %reduce_sum3A : i1 to vector<16xi1>
      %reduce_sum3A_85 = tpu.scan <sum>, %convert_element_type3A masked %reduce_sum3A_84 : vector<16xi32>, vector<16xi1> -> vector<16xi32>
      %reduce_sum3A_86 = vector.extract %reduce_sum3A_85[15] : i32 from vector<16xi32>
      %add3A_87 = arith.addi %scan3A_64, %reduce_sum3A_86 : i32
      scf.yield %add3A_87 : i32
    }
    %scan3A_42 = arith.constant 480 : i32
    %broadcast_in_dim3A_43 = vector.broadcast %scan3A_41 : i32 to vector<16xi32>
    %broadcast_in_dim3A_44 = arith.constant 7680 : i32
    %broadcast_in_dim3A_45 = vector.broadcast %broadcast_in_dim3A_44 : i32 to vector<16xi32>
    tpu.vector_store_idx %arg9[%broadcast_in_dim3A_43], %broadcast_in_dim3A_45 masked %eq3A_30 : memref<1072xi32, #tpu.memory_space<vmem>>[vector<16xi32>], vector<16xi32>, vector<16xi1>
    %scan3A_46 = arith.constant 0 : i32
    %scan3A_47 = arith.constant 0 : i32
    %scan3A_48 = arith.constant 0 : i32
    %scan3A_49 = arith.constant 16 : i32
    %scan3A_50 = arith.addi %scan3A_48, %scan3A_49 : i32
    %scan3A_51 = arith.constant 1 : i32
    %scan3A_52:10 = scf.for %scan3A_63 = %scan3A_48 to %scan3A_50 step %scan3A_51 iter_args(%scan3A_64 = %scan3A_46, %scan3A_65 = %scan3A_47, %scan3A_66 = %broadcast_in_dim3A_1, %scan3A_67 = %broadcast_in_dim3A_1, %scan3A_68 = %broadcast_in_dim3A_1, %scan3A_69 = %broadcast_in_dim3A_1, %scan3A_70 = %broadcast_in_dim3A_1, %scan3A_71 = %broadcast_in_dim3A_1, %scan3A_72 = %broadcast_in_dim3A_1, %scan3A_73 = %broadcast_in_dim3A_1) -> (i32, i32, vector<16xf32>, vector<16xf32>, vector<16xf32>, vector<16xf32>, vector<16xf32>, vector<16xf32>, vector<16xf32>, vector<16xf32>)  : i32 {
      %mul3A_74 = arith.constant 2 : i32
      %mul3A_75 = arith.muli %scan3A_63, %mul3A_74 : i32
      %add3A_76 = arith.constant 0 : i32
      %add3A_77 = arith.addi %mul3A_75, %add3A_76 : i32
      %mul3A_78 = arith.constant 240 : i32
      %mul3A_79 = arith.muli %add3A_77, %mul3A_78 : i32
      %add3A_80 = arith.addi %mul3A_3, %mul3A_79 : i32
      %dma_wait3A_81 = arith.constant 0 : i32
      %dma_wait3A_82 = tpu.memref_slice %arg2[%add3A_80, %dma_wait3A_81] : memref<320000x128xf32, #tpu.memory_space<hbm>> -> memref<240x128xf32, #tpu.memory_space<hbm>>
      %dma_wait3A_83 = arith.constant 0 : i32
      %dma_wait3A_84 = tpu.memref_slice %arg2[%add3A_80, %dma_wait3A_83] : memref<320000x128xf32, #tpu.memory_space<hbm>> -> memref<240x128xf32, #tpu.memory_space<hbm>>
      tpu.wait_dma2 semaphore(%arg17 : memref<!tpu.dma_semaphore, #tpu.memory_space<semaphore_mem>>) src(%dma_wait3A_84 : memref<240x128xf32, #tpu.memory_space<hbm>>) dst(%arg7 : memref<240x128xf32, #tpu.memory_space<vmem>>)
      %add3A_85 = arith.constant 2 : i32
      %add3A_86 = arith.addi %add3A_77, %add3A_85 : i32
      %sub3A_87 = arith.constant 1 : i32
      %sub3A_88 = arith.subi %add3A_86, %sub3A_87 : i32
      %lt3A = arith.constant 32 : i32
      %lt3A_89 = arith.cmpi slt, %sub3A_88, %lt3A : i32
      %convert_element_type3A = arith.extui %lt3A_89 : i1 to i32
      %cond3A = arith.constant 0 : i32
      %cond3A_90 = arith.cmpi ne, %convert_element_type3A, %cond3A : i32
      scf.if %cond3A_90 {
        %add3A_120 = arith.constant 2 : i32
        %add3A_121 = arith.addi %add3A_77, %add3A_120 : i32
        %sub3A_122 = arith.constant 1 : i32
        %sub3A_123 = arith.subi %add3A_121, %sub3A_122 : i32
        %mul3A_124 = arith.constant 240 : i32
        %mul3A_125 = arith.muli %sub3A_123, %mul3A_124 : i32
        %add3A_126 = arith.addi %mul3A_3, %mul3A_125 : i32
        %dma_start3A_127 = arith.constant 0 : i32
        %dma_start3A_128 = tpu.memref_slice %arg2[%add3A_126, %dma_start3A_127] : memref<320000x128xf32, #tpu.memory_space<hbm>> -> memref<240x128xf32, #tpu.memory_space<hbm>>
        %dma_start3A_129 = arith.constant 0 : i32
        %dma_start3A_130 = tpu.memref_slice %arg2[%add3A_126, %dma_start3A_129] : memref<320000x128xf32, #tpu.memory_space<hbm>> -> memref<240x128xf32, #tpu.memory_space<hbm>>
        tpu.enqueue_dma source(%dma_start3A_130 : memref<240x128xf32, #tpu.memory_space<hbm>>) target(%arg8 : memref<240x128xf32, #tpu.memory_space<vmem>>) target_semaphore(%arg18 : memref<!tpu.dma_semaphore, #tpu.memory_space<semaphore_mem>>)
      } else {
      }
      %mul3A_91 = arith.constant 240 : i32
      %mul3A_92 = arith.muli %add3A_77, %mul3A_91 : i32
      %add3A_93 = arith.constant 240 : i32
      %add3A_94 = arith.addi %mul3A_92, %add3A_93 : i32
      %while3A:10 = scf.while (%while3A_120 = %scan3A_64, %while3A_121 = %scan3A_65, %while3A_122 = %scan3A_66, %while3A_123 = %scan3A_67, %while3A_124 = %scan3A_68, %while3A_125 = %scan3A_69, %while3A_126 = %scan3A_70, %while3A_127 = %scan3A_71, %while3A_128 = %scan3A_72, %while3A_129 = %scan3A_73) : (i32, i32, vector<16xf32>, vector<16xf32>, vector<16xf32>, vector<16xf32>, vector<16xf32>, vector<16xf32>, vector<16xf32>, vector<16xf32>) -> (i32, i32, vector<16xf32>, vector<16xf32>, vector<16xf32>, vector<16xf32>, vector<16xf32>, vector<16xf32>, vector<16xf32>, vector<16xf32>) {
        %lt3A_130 = arith.cmpi slt, %while3A_121, %add3A_94 : i32
        scf.condition(%lt3A_130) %while3A_120, %while3A_121, %while3A_122, %while3A_123, %while3A_124, %while3A_125, %while3A_126, %while3A_127, %while3A_128, %while3A_129 : i32, i32, vector<16xf32>, vector<16xf32>, vector<16xf32>, vector<16xf32>, vector<16xf32>, vector<16xf32>, vector<16xf32>, vector<16xf32>
      } do {
      ^bb0(%while3A_120: i32, %while3A_121: i32, %while3A_122: vector<16xf32>, %while3A_123: vector<16xf32>, %while3A_124: vector<16xf32>, %while3A_125: vector<16xf32>, %while3A_126: vector<16xf32>, %while3A_127: vector<16xf32>, %while3A_128: vector<16xf32>, %while3A_129: vector<16xf32>):
        %get3A_130 = arith.index_cast %while3A_120 : i32 to index
        %get3A_131 = tpu.vector_load %arg9[%get3A_130] {strides = array<i32>} : memref<1072xi32, #tpu.memory_space<vmem>>, vector<16xi32>,
        %slice3A_132 = vector.extract_strided_slice %get3A_131 {offsets = [0], sizes = [1], strides = [1]} : vector<16xi32> to vector<1xi32>
        %squeeze3A_133 = vector.extract %slice3A_132[0] : i32 from vector<1xi32>
        %slice3A_134 = vector.extract_strided_slice %get3A_131 {offsets = [1], sizes = [1], strides = [1]} : vector<16xi32> to vector<1xi32>
        %squeeze3A_135 = vector.extract %slice3A_134[0] : i32 from vector<1xi32>
        %min3A = arith.minsi %squeeze3A_135, %add3A_94 : i32
        %parallel_loop3A = arith.constant 1 : i32
        %parallel_loop3A_136:8 = scf.for %parallel_loop3A_144 = %while3A_121 to %min3A step %parallel_loop3A iter_args(%parallel_loop3A_145 = %while3A_122, %parallel_loop3A_146 = %while3A_123, %parallel_loop3A_147 = %while3A_124, %parallel_loop3A_148 = %while3A_125, %parallel_loop3A_149 = %while3A_126, %parallel_loop3A_150 = %while3A_127, %parallel_loop3A_151 = %while3A_128, %parallel_loop3A_152 = %while3A_129) -> (vector<16xf32>, vector<16xf32>, vector<16xf32>, vector<16xf32>, vector<16xf32>, vector<16xf32>, vector<16xf32>, vector<16xf32>)  : i32 {
          %parallel_loop3A_153 = arith.subi %parallel_loop3A_144, %mul3A_92 : i32
          %parallel_loop3A_154 = arith.index_cast %parallel_loop3A_153 : i32 to index
          %parallel_loop3A_155 = arith.constant 0 : index
          %parallel_loop3A_156 = tpu.vector_load %arg7[%parallel_loop3A_154, %parallel_loop3A_155] {strides = array<i32>} : memref<240x128xf32, #tpu.memory_space<vmem>>, vector<16xf32>,
          %parallel_loop3A_157 = arith.addf %parallel_loop3A_145, %parallel_loop3A_156 : vector<16xf32>
          %parallel_loop3A_158 = arith.subi %parallel_loop3A_144, %mul3A_92 : i32
          %parallel_loop3A_159 = arith.index_cast %parallel_loop3A_158 : i32 to index
          %parallel_loop3A_160 = arith.constant 16 : index
          %parallel_loop3A_161 = tpu.vector_load %arg7[%parallel_loop3A_159, %parallel_loop3A_160] {strides = array<i32>} : memref<240x128xf32, #tpu.memory_space<vmem>>, vector<16xf32>,
          %parallel_loop3A_162 = arith.addf %parallel_loop3A_146, %parallel_loop3A_161 : vector<16xf32>
          %parallel_loop3A_163 = arith.subi %parallel_loop3A_144, %mul3A_92 : i32
          %parallel_loop3A_164 = arith.index_cast %parallel_loop3A_163 : i32 to index
          %parallel_loop3A_165 = arith.constant 32 : index
          %parallel_loop3A_166 = tpu.vector_load %arg7[%parallel_loop3A_164, %parallel_loop3A_165] {strides = array<i32>} : memref<240x128xf32, #tpu.memory_space<vmem>>, vector<16xf32>,
          %parallel_loop3A_167 = arith.addf %parallel_loop3A_147, %parallel_loop3A_166 : vector<16xf32>
          %parallel_loop3A_168 = arith.subi %parallel_loop3A_144, %mul3A_92 : i32
          %parallel_loop3A_169 = arith.index_cast %parallel_loop3A_168 : i32 to index
          %parallel_loop3A_170 = arith.constant 48 : index
          %parallel_loop3A_171 = tpu.vector_load %arg7[%parallel_loop3A_169, %parallel_loop3A_170] {strides = array<i32>} : memref<240x128xf32, #tpu.memory_space<vmem>>, vector<16xf32>,
          %parallel_loop3A_172 = arith.addf %parallel_loop3A_148, %parallel_loop3A_171 : vector<16xf32>
          %parallel_loop3A_173 = arith.subi %parallel_loop3A_144, %mul3A_92 : i32
          %parallel_loop3A_174 = arith.index_cast %parallel_loop3A_173 : i32 to index
          %parallel_loop3A_175 = arith.constant 64 : index
          %parallel_loop3A_176 = tpu.vector_load %arg7[%parallel_loop3A_174, %parallel_loop3A_175] {strides = array<i32>} : memref<240x128xf32, #tpu.memory_space<vmem>>, vector<16xf32>,
          %parallel_loop3A_177 = arith.addf %parallel_loop3A_149, %parallel_loop3A_176 : vector<16xf32>
          %parallel_loop3A_178 = arith.subi %parallel_loop3A_144, %mul3A_92 : i32
          %parallel_loop3A_179 = arith.index_cast %parallel_loop3A_178 : i32 to index
          %parallel_loop3A_180 = arith.constant 80 : index
          %parallel_loop3A_181 = tpu.vector_load %arg7[%parallel_loop3A_179, %parallel_loop3A_180] {strides = array<i32>} : memref<240x128xf32, #tpu.memory_space<vmem>>, vector<16xf32>,
          %parallel_loop3A_182 = arith.addf %parallel_loop3A_150, %parallel_loop3A_181 : vector<16xf32>
          %parallel_loop3A_183 = arith.subi %parallel_loop3A_144, %mul3A_92 : i32
          %parallel_loop3A_184 = arith.index_cast %parallel_loop3A_183 : i32 to index
          %parallel_loop3A_185 = arith.constant 96 : index
          %parallel_loop3A_186 = tpu.vector_load %arg7[%parallel_loop3A_184, %parallel_loop3A_185] {strides = array<i32>} : memref<240x128xf32, #tpu.memory_space<vmem>>, vector<16xf32>,
          %parallel_loop3A_187 = arith.addf %parallel_loop3A_151, %parallel_loop3A_186 : vector<16xf32>
          %parallel_loop3A_188 = arith.subi %parallel_loop3A_144, %mul3A_92 : i32
          %parallel_loop3A_189 = arith.index_cast %parallel_loop3A_188 : i32 to index
          %parallel_loop3A_190 = arith.constant 112 : index
          %parallel_loop3A_191 = tpu.vector_load %arg7[%parallel_loop3A_189, %parallel_loop3A_190] {strides = array<i32>} : memref<240x128xf32, #tpu.memory_space<vmem>>, vector<16xf32>,
          %parallel_loop3A_192 = arith.addf %parallel_loop3A_152, %parallel_loop3A_191 : vector<16xf32>
          scf.yield %parallel_loop3A_157, %parallel_loop3A_162, %parallel_loop3A_167, %parallel_loop3A_172, %parallel_loop3A_177, %parallel_loop3A_182, %parallel_loop3A_187, %parallel_loop3A_192 : vector<16xf32>, vector<16xf32>, vector<16xf32>, vector<16xf32>, vector<16xf32>, vector<16xf32>, vector<16xf32>, vector<16xf32>
        } {sc.loop_unroll_factor = 4 : i64, sc.parallel_access}
        %eq3A_137 = arith.cmpi eq, %min3A, %squeeze3A_135 : i32
        %convert_element_type3A_138 = arith.extui %eq3A_137 : i1 to i32
        %cond3A_139 = arith.constant 0 : i32
        %cond3A_140 = arith.cmpi ne, %convert_element_type3A_138, %cond3A_139 : i32
        %cond3A_141:8 = scf.if %cond3A_140 -> (vector<16xf32>, vector<16xf32>, vector<16xf32>, vector<16xf32>, vector<16xf32>, vector<16xf32>, vector<16xf32>, vector<16xf32>) {
          %swap3A = arith.constant 0 : i32
          %swap3A_144 = arith.index_cast %swap3A : i32 to index
          %swap3A_145 = arith.constant 0 : index
          %swap3A_146 = tpu.vector_load %arg10[%swap3A_144, %swap3A_145] {strides = array<i32>} : memref<1x128xf32, #tpu.memory_space<vmem>>, vector<16xf32>,
          tpu.vector_store %arg10[%swap3A_144, %swap3A_145], %parallel_loop3A_136#0 {strides = array<i32>} : memref<1x128xf32, #tpu.memory_space<vmem>>, vector<16xf32>,
          %swap3A_147 = arith.constant 0 : i32
          %swap3A_148 = arith.index_cast %swap3A_147 : i32 to index
          %swap3A_149 = arith.constant 16 : index
          %swap3A_150 = tpu.vector_load %arg10[%swap3A_148, %swap3A_149] {strides = array<i32>} : memref<1x128xf32, #tpu.memory_space<vmem>>, vector<16xf32>,
          tpu.vector_store %arg10[%swap3A_148, %swap3A_149], %parallel_loop3A_136#1 {strides = array<i32>} : memref<1x128xf32, #tpu.memory_space<vmem>>, vector<16xf32>,
          %swap3A_151 = arith.constant 0 : i32
          %swap3A_152 = arith.index_cast %swap3A_151 : i32 to index
          %swap3A_153 = arith.constant 32 : index
          %swap3A_154 = tpu.vector_load %arg10[%swap3A_152, %swap3A_153] {strides = array<i32>} : memref<1x128xf32, #tpu.memory_space<vmem>>, vector<16xf32>,
          tpu.vector_store %arg10[%swap3A_152, %swap3A_153], %parallel_loop3A_136#2 {strides = array<i32>} : memref<1x128xf32, #tpu.memory_space<vmem>>, vector<16xf32>,
          %swap3A_155 = arith.constant 0 : i32
          %swap3A_156 = arith.index_cast %swap3A_155 : i32 to index
          %swap3A_157 = arith.constant 48 : index
          %swap3A_158 = tpu.vector_load %arg10[%swap3A_156, %swap3A_157] {strides = array<i32>} : memref<1x128xf32, #tpu.memory_space<vmem>>, vector<16xf32>,
          tpu.vector_store %arg10[%swap3A_156, %swap3A_157], %parallel_loop3A_136#3 {strides = array<i32>} : memref<1x128xf32, #tpu.memory_space<vmem>>, vector<16xf32>,
          %swap3A_159 = arith.constant 0 : i32
          %swap3A_160 = arith.index_cast %swap3A_159 : i32 to index
          %swap3A_161 = arith.constant 64 : index
          %swap3A_162 = tpu.vector_load %arg10[%swap3A_160, %swap3A_161] {strides = array<i32>} : memref<1x128xf32, #tpu.memory_space<vmem>>, vector<16xf32>,
          tpu.vector_store %arg10[%swap3A_160, %swap3A_161], %parallel_loop3A_136#4 {strides = array<i32>} : memref<1x128xf32, #tpu.memory_space<vmem>>, vector<16xf32>,
          %swap3A_163 = arith.constant 0 : i32
          %swap3A_164 = arith.index_cast %swap3A_163 : i32 to index
          %swap3A_165 = arith.constant 80 : index
          %swap3A_166 = tpu.vector_load %arg10[%swap3A_164, %swap3A_165] {strides = array<i32>} : memref<1x128xf32, #tpu.memory_space<vmem>>, vector<16xf32>,
          tpu.vector_store %arg10[%swap3A_164, %swap3A_165], %parallel_loop3A_136#5 {strides = array<i32>} : memref<1x128xf32, #tpu.memory_space<vmem>>, vector<16xf32>,
          %swap3A_167 = arith.constant 0 : i32
          %swap3A_168 = arith.index_cast %swap3A_167 : i32 to index
          %swap3A_169 = arith.constant 96 : index
          %swap3A_170 = tpu.vector_load %arg10[%swap3A_168, %swap3A_169] {strides = array<i32>} : memref<1x128xf32, #tpu.memory_space<vmem>>, vector<16xf32>,
          tpu.vector_store %arg10[%swap3A_168, %swap3A_169], %parallel_loop3A_136#6 {strides = array<i32>} : memref<1x128xf32, #tpu.memory_space<vmem>>, vector<16xf32>,
          %swap3A_171 = arith.constant 0 : i32
          %swap3A_172 = arith.index_cast %swap3A_171 : i32 to index
          %swap3A_173 = arith.constant 112 : index
          %swap3A_174 = tpu.vector_load %arg10[%swap3A_172, %swap3A_173] {strides = array<i32>} : memref<1x128xf32, #tpu.memory_space<vmem>>, vector<16xf32>,
          tpu.vector_store %arg10[%swap3A_172, %swap3A_173], %parallel_loop3A_136#7 {strides = array<i32>} : memref<1x128xf32, #tpu.memory_space<vmem>>, vector<16xf32>,
          %sub3A_175 = arith.subi %squeeze3A_135, %squeeze3A_133 : i32
          %convert_element_type3A_176 = arith.sitofp %sub3A_175 : i32 to f32
          %broadcast_in_dim3A_177 = vector.broadcast %convert_element_type3A_176 : f32 to vector<16xf32>
          %swap3A_178 = arith.constant 0 : i32
          %swap3A_179 = arith.index_cast %swap3A_178 : i32 to index
          %swap3A_180 = arith.constant 0 : index
          %swap3A_181 = tpu.vector_load %arg11[%swap3A_179, %swap3A_180] {strides = array<i32>} : memref<1x128xf32, #tpu.memory_space<vmem>>, vector<16xf32>,
          tpu.vector_store %arg11[%swap3A_179, %swap3A_180], %broadcast_in_dim3A_177 {strides = array<i32>} : memref<1x128xf32, #tpu.memory_space<vmem>>, vector<16xf32>,
          %swap3A_182 = arith.constant 0 : i32
          %swap3A_183 = arith.index_cast %swap3A_182 : i32 to index
          %swap3A_184 = arith.constant 16 : index
          %swap3A_185 = tpu.vector_load %arg11[%swap3A_183, %swap3A_184] {strides = array<i32>} : memref<1x128xf32, #tpu.memory_space<vmem>>, vector<16xf32>,
          tpu.vector_store %arg11[%swap3A_183, %swap3A_184], %broadcast_in_dim3A_177 {strides = array<i32>} : memref<1x128xf32, #tpu.memory_space<vmem>>, vector<16xf32>,
          %swap3A_186 = arith.constant 0 : i32
          %swap3A_187 = arith.index_cast %swap3A_186 : i32 to index
          %swap3A_188 = arith.constant 32 : index
          %swap3A_189 = tpu.vector_load %arg11[%swap3A_187, %swap3A_188] {strides = array<i32>} : memref<1x128xf32, #tpu.memory_space<vmem>>, vector<16xf32>,
          tpu.vector_store %arg11[%swap3A_187, %swap3A_188], %broadcast_in_dim3A_177 {strides = array<i32>} : memref<1x128xf32, #tpu.memory_space<vmem>>, vector<16xf32>,
          %swap3A_190 = arith.constant 0 : i32
          %swap3A_191 = arith.index_cast %swap3A_190 : i32 to index
          %swap3A_192 = arith.constant 48 : index
          %swap3A_193 = tpu.vector_load %arg11[%swap3A_191, %swap3A_192] {strides = array<i32>} : memref<1x128xf32, #tpu.memory_space<vmem>>, vector<16xf32>,
          tpu.vector_store %arg11[%swap3A_191, %swap3A_192], %broadcast_in_dim3A_177 {strides = array<i32>} : memref<1x128xf32, #tpu.memory_space<vmem>>, vector<16xf32>,
          %swap3A_194 = arith.constant 0 : i32
          %swap3A_195 = arith.index_cast %swap3A_194 : i32 to index
          %swap3A_196 = arith.constant 64 : index
          %swap3A_197 = tpu.vector_load %arg11[%swap3A_195, %swap3A_196] {strides = array<i32>} : memref<1x128xf32, #tpu.memory_space<vmem>>, vector<16xf32>,
          tpu.vector_store %arg11[%swap3A_195, %swap3A_196], %broadcast_in_dim3A_177 {strides = array<i32>} : memref<1x128xf32, #tpu.memory_space<vmem>>, vector<16xf32>,
          %swap3A_198 = arith.constant 0 : i32
          %swap3A_199 = arith.index_cast %swap3A_198 : i32 to index
          %swap3A_200 = arith.constant 80 : index
          %swap3A_201 = tpu.vector_load %arg11[%swap3A_199, %swap3A_200] {strides = array<i32>} : memref<1x128xf32, #tpu.memory_space<vmem>>, vector<16xf32>,
          tpu.vector_store %arg11[%swap3A_199, %swap3A_200], %broadcast_in_dim3A_177 {strides = array<i32>} : memref<1x128xf32, #tpu.memory_space<vmem>>, vector<16xf32>,
          %swap3A_202 = arith.constant 0 : i32
          %swap3A_203 = arith.index_cast %swap3A_202 : i32 to index
          %swap3A_204 = arith.constant 96 : index
          %swap3A_205 = tpu.vector_load %arg11[%swap3A_203, %swap3A_204] {strides = array<i32>} : memref<1x128xf32, #tpu.memory_space<vmem>>, vector<16xf32>,
          tpu.vector_store %arg11[%swap3A_203, %swap3A_204], %broadcast_in_dim3A_177 {strides = array<i32>} : memref<1x128xf32, #tpu.memory_space<vmem>>, vector<16xf32>,
          %swap3A_206 = arith.constant 0 : i32
          %swap3A_207 = arith.index_cast %swap3A_206 : i32 to index
          %swap3A_208 = arith.constant 112 : index
          %swap3A_209 = tpu.vector_load %arg11[%swap3A_207, %swap3A_208] {strides = array<i32>} : memref<1x128xf32, #tpu.memory_space<vmem>>, vector<16xf32>,
          tpu.vector_store %arg11[%swap3A_207, %swap3A_208], %broadcast_in_dim3A_177 {strides = array<i32>} : memref<1x128xf32, #tpu.memory_space<vmem>>, vector<16xf32>,
          %add3A_210 = arith.constant 16 : i32
          %add3A_211 = arith.addi %squeeze3A_133, %add3A_210 : i32
          %get3A_212 = arith.index_cast %add3A_211 : i32 to index
          %get3A_213 = tpu.vector_load %arg6[%get3A_212] {strides = array<i32>} : memref<7712xi32, #tpu.memory_space<vmem>>, vector<16xi32>,
          %slice3A_214 = vector.extract_strided_slice %get3A_213 {offsets = [0], sizes = [1], strides = [1]} : vector<16xi32> to vector<1xi32>
          %squeeze3A_215 = vector.extract %slice3A_214[0] : i32 from vector<1xi32>
          %broadcast_in_dim3A_216 = arith.constant 0 : i32
          %broadcast_in_dim3A_217 = vector.broadcast %broadcast_in_dim3A_216 : i32 to vector<16xi32>
          %broadcast_in_dim3A_218 = vector.broadcast %squeeze3A_215 : i32 to vector<16xi32>
          tpu.vector_store_idx %arg12[%broadcast_in_dim3A_217], %broadcast_in_dim3A_218 masked %eq3A_30 : memref<1xi32, #tpu.memory_space<vmem>>[vector<16xi32>], vector<16xi32>, vector<16xi1>
          "tpu.region"() ({
            %run_scoped3A = tpu.sem_alloc : memref<!tpu.dma_semaphore, #tpu.memory_space<semaphore_mem>>
            %dma_start3A_219 = arith.constant 0 : i32
            %dma_start3A_220 = arith.constant 0 : i32
            %dma_start3A_221 = tpu.memref_slice %arg14[%dma_start3A_219, %dma_start3A_220] : memref<1024x128xf32, #tpu.memory_space<vmem_shared>> -> memref<1024x128xf32, #tpu.memory_space<vmem_shared>>
            tpu.enqueue_indirect_dma source(%arg10 : memref<1x128xf32, #tpu.memory_space<vmem>>) target(%dma_start3A_221 : memref<1024x128xf32, #tpu.memory_space<vmem_shared>>) offsets(%arg12 : memref<1xi32, #tpu.memory_space<vmem>>) semaphore(%run_scoped3A : memref<!tpu.dma_semaphore, #tpu.memory_space<semaphore_mem>>) {add = true}
            %dma_wait3A_222 = arith.constant 0 : i32
            %dma_wait3A_223 = arith.constant 0 : i32
            %dma_wait3A_224 = tpu.memref_slice %arg14[%dma_wait3A_222, %dma_wait3A_223] : memref<1024x128xf32, #tpu.memory_space<vmem_shared>> -> memref<1024x128xf32, #tpu.memory_space<vmem_shared>>
            tpu.wait_indirect_dma semaphore(%run_scoped3A : memref<!tpu.dma_semaphore, #tpu.memory_space<semaphore_mem>>) src(%arg10 : memref<1x128xf32, #tpu.memory_space<vmem>>) dst(%dma_wait3A_224 : memref<1024x128xf32, #tpu.memory_space<vmem_shared>>)
            tpu.yield
          }) : () -> ()
          "tpu.region"() ({
            %run_scoped3A = tpu.sem_alloc : memref<!tpu.dma_semaphore, #tpu.memory_space<semaphore_mem>>
            %dma_start3A_219 = arith.constant 0 : i32
            %dma_start3A_220 = arith.constant 0 : i32
            %dma_start3A_221 = tpu.memref_slice %arg15[%dma_start3A_219, %dma_start3A_220] : memref<1024x128xf32, #tpu.memory_space<vmem_shared>> -> memref<1024x128xf32, #tpu.memory_space<vmem_shared>>
            tpu.enqueue_indirect_dma source(%arg11 : memref<1x128xf32, #tpu.memory_space<vmem>>) target(%dma_start3A_221 : memref<1024x128xf32, #tpu.memory_space<vmem_shared>>) offsets(%arg12 : memref<1xi32, #tpu.memory_space<vmem>>) semaphore(%run_scoped3A : memref<!tpu.dma_semaphore, #tpu.memory_space<semaphore_mem>>) {add = true}
            %dma_wait3A_222 = arith.constant 0 : i32
            %dma_wait3A_223 = arith.constant 0 : i32
            %dma_wait3A_224 = tpu.memref_slice %arg15[%dma_wait3A_222, %dma_wait3A_223] : memref<1024x128xf32, #tpu.memory_space<vmem_shared>> -> memref<1024x128xf32, #tpu.memory_space<vmem_shared>>
            tpu.wait_indirect_dma semaphore(%run_scoped3A : memref<!tpu.dma_semaphore, #tpu.memory_space<semaphore_mem>>) src(%arg11 : memref<1x128xf32, #tpu.memory_space<vmem>>) dst(%dma_wait3A_224 : memref<1024x128xf32, #tpu.memory_space<vmem_shared>>)
            tpu.yield
          }) : () -> ()
          scf.yield %broadcast_in_dim3A_1, %broadcast_in_dim3A_1, %broadcast_in_dim3A_1, %broadcast_in_dim3A_1, %broadcast_in_dim3A_1, %broadcast_in_dim3A_1, %broadcast_in_dim3A_1, %broadcast_in_dim3A_1 : vector<16xf32>, vector<16xf32>, vector<16xf32>, vector<16xf32>, vector<16xf32>, vector<16xf32>, vector<16xf32>, vector<16xf32>
        } else {
          scf.yield %parallel_loop3A_136#0, %parallel_loop3A_136#1, %parallel_loop3A_136#2, %parallel_loop3A_136#3, %parallel_loop3A_136#4, %parallel_loop3A_136#5, %parallel_loop3A_136#6, %parallel_loop3A_136#7 : vector<16xf32>, vector<16xf32>, vector<16xf32>, vector<16xf32>, vector<16xf32>, vector<16xf32>, vector<16xf32>, vector<16xf32>
        }
        %add3A_142 = arith.constant 1 : i32
        %add3A_143 = arith.addi %while3A_120, %add3A_142 : i32
        %select_n3A = arith.select %eq3A_137, %add3A_143, %while3A_120 : i32
        scf.yield %select_n3A, %min3A, %cond3A_141#0, %cond3A_141#1, %cond3A_141#2, %cond3A_141#3, %cond3A_141#4, %cond3A_141#5, %cond3A_141#6, %cond3A_141#7 : i32, i32, vector<16xf32>, vector<16xf32>, vector<16xf32>, vector<16xf32>, vector<16xf32>, vector<16xf32>, vector<16xf32>, vector<16xf32>
      }
      %mul3A_95 = arith.constant 2 : i32
      %mul3A_96 = arith.muli %scan3A_63, %mul3A_95 : i32
      %add3A_97 = arith.constant 1 : i32
      %add3A_98 = arith.addi %mul3A_96, %add3A_97 : i32
      %mul3A_99 = arith.constant 240 : i32
      %mul3A_100 = arith.muli %add3A_98, %mul3A_99 : i32
      %add3A_101 = arith.addi %mul3A_3, %mul3A_100 : i32
      %dma_wait3A_102 = arith.constant 0 : i32
      %dma_wait3A_103 = tpu.memref_slice %arg2[%add3A_101, %dma_wait3A_102] : memref<320000x128xf32, #tpu.memory_space<hbm>> -> memref<240x128xf32, #tpu.memory_space<hbm>>
      %dma_wait3A_104 = arith.constant 0 : i32
      %dma_wait3A_105 = tpu.memref_slice %arg2[%add3A_101, %dma_wait3A_104] : memref<320000x128xf32, #tpu.memory_space<hbm>> -> memref<240x128xf32, #tpu.memory_space<hbm>>
      tpu.wait_dma2 semaphore(%arg18 : memref<!tpu.dma_semaphore, #tpu.memory_space<semaphore_mem>>) src(%dma_wait3A_105 : memref<240x128xf32, #tpu.memory_space<hbm>>) dst(%arg8 : memref<240x128xf32, #tpu.memory_space<vmem>>)
      %add3A_106 = arith.constant 2 : i32
      %add3A_107 = arith.addi %add3A_98, %add3A_106 : i32
      %sub3A_108 = arith.constant 1 : i32
      %sub3A_109 = arith.subi %add3A_107, %sub3A_108 : i32
      %lt3A_110 = arith.constant 32 : i32
      %lt3A_111 = arith.cmpi slt, %sub3A_109, %lt3A_110 : i32
      %convert_element_type3A_112 = arith.extui %lt3A_111 : i1 to i32
      %cond3A_113 = arith.constant 0 : i32
      %cond3A_114 = arith.cmpi ne, %convert_element_type3A_112, %cond3A_113 : i32
      scf.if %cond3A_114 {
        %add3A_120 = arith.constant 2 : i32
        %add3A_121 = arith.addi %add3A_98, %add3A_120 : i32
        %sub3A_122 = arith.constant 1 : i32
        %sub3A_123 = arith.subi %add3A_121, %sub3A_122 : i32
        %mul3A_124 = arith.constant 240 : i32
        %mul3A_125 = arith.muli %sub3A_123, %mul3A_124 : i32
        %add3A_126 = arith.addi %mul3A_3, %mul3A_125 : i32
        %dma_start3A_127 = arith.constant 0 : i32
        %dma_start3A_128 = tpu.memref_slice %arg2[%add3A_126, %dma_start3A_127] : memref<320000x128xf32, #tpu.memory_space<hbm>> -> memref<240x128xf32, #tpu.memory_space<hbm>>
        %dma_start3A_129 = arith.constant 0 : i32
        %dma_start3A_130 = tpu.memref_slice %arg2[%add3A_126, %dma_start3A_129] : memref<320000x128xf32, #tpu.memory_space<hbm>> -> memref<240x128xf32, #tpu.memory_space<hbm>>
        tpu.enqueue_dma source(%dma_start3A_130 : memref<240x128xf32, #tpu.memory_space<hbm>>) target(%arg7 : memref<240x128xf32, #tpu.memory_space<vmem>>) target_semaphore(%arg17 : memref<!tpu.dma_semaphore, #tpu.memory_space<semaphore_mem>>)
      } else {
      }
      %mul3A_115 = arith.constant 240 : i32
      %mul3A_116 = arith.muli %add3A_98, %mul3A_115 : i32
      %add3A_117 = arith.constant 240 : i32
      %add3A_118 = arith.addi %mul3A_116, %add3A_117 : i32
      %while3A_119:10 = scf.while (%while3A_120 = %while3A#0, %while3A_121 = %while3A#1, %while3A_122 = %while3A#2, %while3A_123 = %while3A#3, %while3A_124 = %while3A#4, %while3A_125 = %while3A#5, %while3A_126 = %while3A#6, %while3A_127 = %while3A#7, %while3A_128 = %while3A#8, %while3A_129 = %while3A#9) : (i32, i32, vector<16xf32>, vector<16xf32>, vector<16xf32>, vector<16xf32>, vector<16xf32>, vector<16xf32>, vector<16xf32>, vector<16xf32>) -> (i32, i32, vector<16xf32>, vector<16xf32>, vector<16xf32>, vector<16xf32>, vector<16xf32>, vector<16xf32>, vector<16xf32>, vector<16xf32>) {
        %lt3A_130 = arith.cmpi slt, %while3A_121, %add3A_118 : i32
        scf.condition(%lt3A_130) %while3A_120, %while3A_121, %while3A_122, %while3A_123, %while3A_124, %while3A_125, %while3A_126, %while3A_127, %while3A_128, %while3A_129 : i32, i32, vector<16xf32>, vector<16xf32>, vector<16xf32>, vector<16xf32>, vector<16xf32>, vector<16xf32>, vector<16xf32>, vector<16xf32>
      } do {
      ^bb0(%while3A_120: i32, %while3A_121: i32, %while3A_122: vector<16xf32>, %while3A_123: vector<16xf32>, %while3A_124: vector<16xf32>, %while3A_125: vector<16xf32>, %while3A_126: vector<16xf32>, %while3A_127: vector<16xf32>, %while3A_128: vector<16xf32>, %while3A_129: vector<16xf32>):
        %get3A_130 = arith.index_cast %while3A_120 : i32 to index
        %get3A_131 = tpu.vector_load %arg9[%get3A_130] {strides = array<i32>} : memref<1072xi32, #tpu.memory_space<vmem>>, vector<16xi32>,
        %slice3A_132 = vector.extract_strided_slice %get3A_131 {offsets = [0], sizes = [1], strides = [1]} : vector<16xi32> to vector<1xi32>
        %squeeze3A_133 = vector.extract %slice3A_132[0] : i32 from vector<1xi32>
        %slice3A_134 = vector.extract_strided_slice %get3A_131 {offsets = [1], sizes = [1], strides = [1]} : vector<16xi32> to vector<1xi32>
        %squeeze3A_135 = vector.extract %slice3A_134[0] : i32 from vector<1xi32>
        %min3A = arith.minsi %squeeze3A_135, %add3A_118 : i32
        %parallel_loop3A = arith.constant 1 : i32
        %parallel_loop3A_136:8 = scf.for %parallel_loop3A_144 = %while3A_121 to %min3A step %parallel_loop3A iter_args(%parallel_loop3A_145 = %while3A_122, %parallel_loop3A_146 = %while3A_123, %parallel_loop3A_147 = %while3A_124, %parallel_loop3A_148 = %while3A_125, %parallel_loop3A_149 = %while3A_126, %parallel_loop3A_150 = %while3A_127, %parallel_loop3A_151 = %while3A_128, %parallel_loop3A_152 = %while3A_129) -> (vector<16xf32>, vector<16xf32>, vector<16xf32>, vector<16xf32>, vector<16xf32>, vector<16xf32>, vector<16xf32>, vector<16xf32>)  : i32 {
          %parallel_loop3A_153 = arith.subi %parallel_loop3A_144, %mul3A_116 : i32
          %parallel_loop3A_154 = arith.index_cast %parallel_loop3A_153 : i32 to index
          %parallel_loop3A_155 = arith.constant 0 : index
          %parallel_loop3A_156 = tpu.vector_load %arg8[%parallel_loop3A_154, %parallel_loop3A_155] {strides = array<i32>} : memref<240x128xf32, #tpu.memory_space<vmem>>, vector<16xf32>,
          %parallel_loop3A_157 = arith.addf %parallel_loop3A_145, %parallel_loop3A_156 : vector<16xf32>
          %parallel_loop3A_158 = arith.subi %parallel_loop3A_144, %mul3A_116 : i32
          %parallel_loop3A_159 = arith.index_cast %parallel_loop3A_158 : i32 to index
          %parallel_loop3A_160 = arith.constant 16 : index
          %parallel_loop3A_161 = tpu.vector_load %arg8[%parallel_loop3A_159, %parallel_loop3A_160] {strides = array<i32>} : memref<240x128xf32, #tpu.memory_space<vmem>>, vector<16xf32>,
          %parallel_loop3A_162 = arith.addf %parallel_loop3A_146, %parallel_loop3A_161 : vector<16xf32>
          %parallel_loop3A_163 = arith.subi %parallel_loop3A_144, %mul3A_116 : i32
          %parallel_loop3A_164 = arith.index_cast %parallel_loop3A_163 : i32 to index
          %parallel_loop3A_165 = arith.constant 32 : index
          %parallel_loop3A_166 = tpu.vector_load %arg8[%parallel_loop3A_164, %parallel_loop3A_165] {strides = array<i32>} : memref<240x128xf32, #tpu.memory_space<vmem>>, vector<16xf32>,
          %parallel_loop3A_167 = arith.addf %parallel_loop3A_147, %parallel_loop3A_166 : vector<16xf32>
          %parallel_loop3A_168 = arith.subi %parallel_loop3A_144, %mul3A_116 : i32
          %parallel_loop3A_169 = arith.index_cast %parallel_loop3A_168 : i32 to index
          %parallel_loop3A_170 = arith.constant 48 : index
          %parallel_loop3A_171 = tpu.vector_load %arg8[%parallel_loop3A_169, %parallel_loop3A_170] {strides = array<i32>} : memref<240x128xf32, #tpu.memory_space<vmem>>, vector<16xf32>,
          %parallel_loop3A_172 = arith.addf %parallel_loop3A_148, %parallel_loop3A_171 : vector<16xf32>
          %parallel_loop3A_173 = arith.subi %parallel_loop3A_144, %mul3A_116 : i32
          %parallel_loop3A_174 = arith.index_cast %parallel_loop3A_173 : i32 to index
          %parallel_loop3A_175 = arith.constant 64 : index
          %parallel_loop3A_176 = tpu.vector_load %arg8[%parallel_loop3A_174, %parallel_loop3A_175] {strides = array<i32>} : memref<240x128xf32, #tpu.memory_space<vmem>>, vector<16xf32>,
          %parallel_loop3A_177 = arith.addf %parallel_loop3A_149, %parallel_loop3A_176 : vector<16xf32>
          %parallel_loop3A_178 = arith.subi %parallel_loop3A_144, %mul3A_116 : i32
          %parallel_loop3A_179 = arith.index_cast %parallel_loop3A_178 : i32 to index
          %parallel_loop3A_180 = arith.constant 80 : index
          %parallel_loop3A_181 = tpu.vector_load %arg8[%parallel_loop3A_179, %parallel_loop3A_180] {strides = array<i32>} : memref<240x128xf32, #tpu.memory_space<vmem>>, vector<16xf32>,
          %parallel_loop3A_182 = arith.addf %parallel_loop3A_150, %parallel_loop3A_181 : vector<16xf32>
          %parallel_loop3A_183 = arith.subi %parallel_loop3A_144, %mul3A_116 : i32
          %parallel_loop3A_184 = arith.index_cast %parallel_loop3A_183 : i32 to index
          %parallel_loop3A_185 = arith.constant 96 : index
          %parallel_loop3A_186 = tpu.vector_load %arg8[%parallel_loop3A_184, %parallel_loop3A_185] {strides = array<i32>} : memref<240x128xf32, #tpu.memory_space<vmem>>, vector<16xf32>,
          %parallel_loop3A_187 = arith.addf %parallel_loop3A_151, %parallel_loop3A_186 : vector<16xf32>
          %parallel_loop3A_188 = arith.subi %parallel_loop3A_144, %mul3A_116 : i32
          %parallel_loop3A_189 = arith.index_cast %parallel_loop3A_188 : i32 to index
          %parallel_loop3A_190 = arith.constant 112 : index
          %parallel_loop3A_191 = tpu.vector_load %arg8[%parallel_loop3A_189, %parallel_loop3A_190] {strides = array<i32>} : memref<240x128xf32, #tpu.memory_space<vmem>>, vector<16xf32>,
          %parallel_loop3A_192 = arith.addf %parallel_loop3A_152, %parallel_loop3A_191 : vector<16xf32>
          scf.yield %parallel_loop3A_157, %parallel_loop3A_162, %parallel_loop3A_167, %parallel_loop3A_172, %parallel_loop3A_177, %parallel_loop3A_182, %parallel_loop3A_187, %parallel_loop3A_192 : vector<16xf32>, vector<16xf32>, vector<16xf32>, vector<16xf32>, vector<16xf32>, vector<16xf32>, vector<16xf32>, vector<16xf32>
        } {sc.loop_unroll_factor = 4 : i64, sc.parallel_access}
        %eq3A_137 = arith.cmpi eq, %min3A, %squeeze3A_135 : i32
        %convert_element_type3A_138 = arith.extui %eq3A_137 : i1 to i32
        %cond3A_139 = arith.constant 0 : i32
        %cond3A_140 = arith.cmpi ne, %convert_element_type3A_138, %cond3A_139 : i32
        %cond3A_141:8 = scf.if %cond3A_140 -> (vector<16xf32>, vector<16xf32>, vector<16xf32>, vector<16xf32>, vector<16xf32>, vector<16xf32>, vector<16xf32>, vector<16xf32>) {
          %swap3A = arith.constant 0 : i32
          %swap3A_144 = arith.index_cast %swap3A : i32 to index
          %swap3A_145 = arith.constant 0 : index
          %swap3A_146 = tpu.vector_load %arg10[%swap3A_144, %swap3A_145] {strides = array<i32>} : memref<1x128xf32, #tpu.memory_space<vmem>>, vector<16xf32>,
          tpu.vector_store %arg10[%swap3A_144, %swap3A_145], %parallel_loop3A_136#0 {strides = array<i32>} : memref<1x128xf32, #tpu.memory_space<vmem>>, vector<16xf32>,
          %swap3A_147 = arith.constant 0 : i32
          %swap3A_148 = arith.index_cast %swap3A_147 : i32 to index
          %swap3A_149 = arith.constant 16 : index
          %swap3A_150 = tpu.vector_load %arg10[%swap3A_148, %swap3A_149] {strides = array<i32>} : memref<1x128xf32, #tpu.memory_space<vmem>>, vector<16xf32>,
          tpu.vector_store %arg10[%swap3A_148, %swap3A_149], %parallel_loop3A_136#1 {strides = array<i32>} : memref<1x128xf32, #tpu.memory_space<vmem>>, vector<16xf32>,
          %swap3A_151 = arith.constant 0 : i32
          %swap3A_152 = arith.index_cast %swap3A_151 : i32 to index
          %swap3A_153 = arith.constant 32 : index
          %swap3A_154 = tpu.vector_load %arg10[%swap3A_152, %swap3A_153] {strides = array<i32>} : memref<1x128xf32, #tpu.memory_space<vmem>>, vector<16xf32>,
          tpu.vector_store %arg10[%swap3A_152, %swap3A_153], %parallel_loop3A_136#2 {strides = array<i32>} : memref<1x128xf32, #tpu.memory_space<vmem>>, vector<16xf32>,
          %swap3A_155 = arith.constant 0 : i32
          %swap3A_156 = arith.index_cast %swap3A_155 : i32 to index
          %swap3A_157 = arith.constant 48 : index
          %swap3A_158 = tpu.vector_load %arg10[%swap3A_156, %swap3A_157] {strides = array<i32>} : memref<1x128xf32, #tpu.memory_space<vmem>>, vector<16xf32>,
          tpu.vector_store %arg10[%swap3A_156, %swap3A_157], %parallel_loop3A_136#3 {strides = array<i32>} : memref<1x128xf32, #tpu.memory_space<vmem>>, vector<16xf32>,
          %swap3A_159 = arith.constant 0 : i32
          %swap3A_160 = arith.index_cast %swap3A_159 : i32 to index
          %swap3A_161 = arith.constant 64 : index
          %swap3A_162 = tpu.vector_load %arg10[%swap3A_160, %swap3A_161] {strides = array<i32>} : memref<1x128xf32, #tpu.memory_space<vmem>>, vector<16xf32>,
          tpu.vector_store %arg10[%swap3A_160, %swap3A_161], %parallel_loop3A_136#4 {strides = array<i32>} : memref<1x128xf32, #tpu.memory_space<vmem>>, vector<16xf32>,
          %swap3A_163 = arith.constant 0 : i32
          %swap3A_164 = arith.index_cast %swap3A_163 : i32 to index
          %swap3A_165 = arith.constant 80 : index
          %swap3A_166 = tpu.vector_load %arg10[%swap3A_164, %swap3A_165] {strides = array<i32>} : memref<1x128xf32, #tpu.memory_space<vmem>>, vector<16xf32>,
          tpu.vector_store %arg10[%swap3A_164, %swap3A_165], %parallel_loop3A_136#5 {strides = array<i32>} : memref<1x128xf32, #tpu.memory_space<vmem>>, vector<16xf32>,
          %swap3A_167 = arith.constant 0 : i32
          %swap3A_168 = arith.index_cast %swap3A_167 : i32 to index
          %swap3A_169 = arith.constant 96 : index
          %swap3A_170 = tpu.vector_load %arg10[%swap3A_168, %swap3A_169] {strides = array<i32>} : memref<1x128xf32, #tpu.memory_space<vmem>>, vector<16xf32>,
          tpu.vector_store %arg10[%swap3A_168, %swap3A_169], %parallel_loop3A_136#6 {strides = array<i32>} : memref<1x128xf32, #tpu.memory_space<vmem>>, vector<16xf32>,
          %swap3A_171 = arith.constant 0 : i32
          %swap3A_172 = arith.index_cast %swap3A_171 : i32 to index
          %swap3A_173 = arith.constant 112 : index
          %swap3A_174 = tpu.vector_load %arg10[%swap3A_172, %swap3A_173] {strides = array<i32>} : memref<1x128xf32, #tpu.memory_space<vmem>>, vector<16xf32>,
          tpu.vector_store %arg10[%swap3A_172, %swap3A_173], %parallel_loop3A_136#7 {strides = array<i32>} : memref<1x128xf32, #tpu.memory_space<vmem>>, vector<16xf32>,
          %sub3A_175 = arith.subi %squeeze3A_135, %squeeze3A_133 : i32
          %convert_element_type3A_176 = arith.sitofp %sub3A_175 : i32 to f32
          %broadcast_in_dim3A_177 = vector.broadcast %convert_element_type3A_176 : f32 to vector<16xf32>
          %swap3A_178 = arith.constant 0 : i32
          %swap3A_179 = arith.index_cast %swap3A_178 : i32 to index
          %swap3A_180 = arith.constant 0 : index
          %swap3A_181 = tpu.vector_load %arg11[%swap3A_179, %swap3A_180] {strides = array<i32>} : memref<1x128xf32, #tpu.memory_space<vmem>>, vector<16xf32>,
          tpu.vector_store %arg11[%swap3A_179, %swap3A_180], %broadcast_in_dim3A_177 {strides = array<i32>} : memref<1x128xf32, #tpu.memory_space<vmem>>, vector<16xf32>,
          %swap3A_182 = arith.constant 0 : i32
          %swap3A_183 = arith.index_cast %swap3A_182 : i32 to index
          %swap3A_184 = arith.constant 16 : index
          %swap3A_185 = tpu.vector_load %arg11[%swap3A_183, %swap3A_184] {strides = array<i32>} : memref<1x128xf32, #tpu.memory_space<vmem>>, vector<16xf32>,
          tpu.vector_store %arg11[%swap3A_183, %swap3A_184], %broadcast_in_dim3A_177 {strides = array<i32>} : memref<1x128xf32, #tpu.memory_space<vmem>>, vector<16xf32>,
          %swap3A_186 = arith.constant 0 : i32
          %swap3A_187 = arith.index_cast %swap3A_186 : i32 to index
          %swap3A_188 = arith.constant 32 : index
          %swap3A_189 = tpu.vector_load %arg11[%swap3A_187, %swap3A_188] {strides = array<i32>} : memref<1x128xf32, #tpu.memory_space<vmem>>, vector<16xf32>,
          tpu.vector_store %arg11[%swap3A_187, %swap3A_188], %broadcast_in_dim3A_177 {strides = array<i32>} : memref<1x128xf32, #tpu.memory_space<vmem>>, vector<16xf32>,
          %swap3A_190 = arith.constant 0 : i32
          %swap3A_191 = arith.index_cast %swap3A_190 : i32 to index
          %swap3A_192 = arith.constant 48 : index
          %swap3A_193 = tpu.vector_load %arg11[%swap3A_191, %swap3A_192] {strides = array<i32>} : memref<1x128xf32, #tpu.memory_space<vmem>>, vector<16xf32>,
          tpu.vector_store %arg11[%swap3A_191, %swap3A_192], %broadcast_in_dim3A_177 {strides = array<i32>} : memref<1x128xf32, #tpu.memory_space<vmem>>, vector<16xf32>,
          %swap3A_194 = arith.constant 0 : i32
          %swap3A_195 = arith.index_cast %swap3A_194 : i32 to index
          %swap3A_196 = arith.constant 64 : index
          %swap3A_197 = tpu.vector_load %arg11[%swap3A_195, %swap3A_196] {strides = array<i32>} : memref<1x128xf32, #tpu.memory_space<vmem>>, vector<16xf32>,
          tpu.vector_store %arg11[%swap3A_195, %swap3A_196], %broadcast_in_dim3A_177 {strides = array<i32>} : memref<1x128xf32, #tpu.memory_space<vmem>>, vector<16xf32>,
          %swap3A_198 = arith.constant 0 : i32
          %swap3A_199 = arith.index_cast %swap3A_198 : i32 to index
          %swap3A_200 = arith.constant 80 : index
          %swap3A_201 = tpu.vector_load %arg11[%swap3A_199, %swap3A_200] {strides = array<i32>} : memref<1x128xf32, #tpu.memory_space<vmem>>, vector<16xf32>,
          tpu.vector_store %arg11[%swap3A_199, %swap3A_200], %broadcast_in_dim3A_177 {strides = array<i32>} : memref<1x128xf32, #tpu.memory_space<vmem>>, vector<16xf32>,
          %swap3A_202 = arith.constant 0 : i32
          %swap3A_203 = arith.index_cast %swap3A_202 : i32 to index
          %swap3A_204 = arith.constant 96 : index
          %swap3A_205 = tpu.vector_load %arg11[%swap3A_203, %swap3A_204] {strides = array<i32>} : memref<1x128xf32, #tpu.memory_space<vmem>>, vector<16xf32>,
          tpu.vector_store %arg11[%swap3A_203, %swap3A_204], %broadcast_in_dim3A_177 {strides = array<i32>} : memref<1x128xf32, #tpu.memory_space<vmem>>, vector<16xf32>,
          %swap3A_206 = arith.constant 0 : i32
          %swap3A_207 = arith.index_cast %swap3A_206 : i32 to index
          %swap3A_208 = arith.constant 112 : index
          %swap3A_209 = tpu.vector_load %arg11[%swap3A_207, %swap3A_208] {strides = array<i32>} : memref<1x128xf32, #tpu.memory_space<vmem>>, vector<16xf32>,
          tpu.vector_store %arg11[%swap3A_207, %swap3A_208], %broadcast_in_dim3A_177 {strides = array<i32>} : memref<1x128xf32, #tpu.memory_space<vmem>>, vector<16xf32>,
          %add3A_210 = arith.constant 16 : i32
          %add3A_211 = arith.addi %squeeze3A_133, %add3A_210 : i32
          %get3A_212 = arith.index_cast %add3A_211 : i32 to index
          %get3A_213 = tpu.vector_load %arg6[%get3A_212] {strides = array<i32>} : memref<7712xi32, #tpu.memory_space<vmem>>, vector<16xi32>,
          %slice3A_214 = vector.extract_strided_slice %get3A_213 {offsets = [0], sizes = [1], strides = [1]} : vector<16xi32> to vector<1xi32>
          %squeeze3A_215 = vector.extract %slice3A_214[0] : i32 from vector<1xi32>
          %broadcast_in_dim3A_216 = arith.constant 0 : i32
          %broadcast_in_dim3A_217 = vector.broadcast %broadcast_in_dim3A_216 : i32 to vector<16xi32>
          %broadcast_in_dim3A_218 = vector.broadcast %squeeze3A_215 : i32 to vector<16xi32>
          tpu.vector_store_idx %arg12[%broadcast_in_dim3A_217], %broadcast_in_dim3A_218 masked %eq3A_30 : memref<1xi32, #tpu.memory_space<vmem>>[vector<16xi32>], vector<16xi32>, vector<16xi1>
          "tpu.region"() ({
            %run_scoped3A = tpu.sem_alloc : memref<!tpu.dma_semaphore, #tpu.memory_space<semaphore_mem>>
            %dma_start3A_219 = arith.constant 0 : i32
            %dma_start3A_220 = arith.constant 0 : i32
            %dma_start3A_221 = tpu.memref_slice %arg14[%dma_start3A_219, %dma_start3A_220] : memref<1024x128xf32, #tpu.memory_space<vmem_shared>> -> memref<1024x128xf32, #tpu.memory_space<vmem_shared>>
            tpu.enqueue_indirect_dma source(%arg10 : memref<1x128xf32, #tpu.memory_space<vmem>>) target(%dma_start3A_221 : memref<1024x128xf32, #tpu.memory_space<vmem_shared>>) offsets(%arg12 : memref<1xi32, #tpu.memory_space<vmem>>) semaphore(%run_scoped3A : memref<!tpu.dma_semaphore, #tpu.memory_space<semaphore_mem>>) {add = true}
            %dma_wait3A_222 = arith.constant 0 : i32
            %dma_wait3A_223 = arith.constant 0 : i32
            %dma_wait3A_224 = tpu.memref_slice %arg14[%dma_wait3A_222, %dma_wait3A_223] : memref<1024x128xf32, #tpu.memory_space<vmem_shared>> -> memref<1024x128xf32, #tpu.memory_space<vmem_shared>>
            tpu.wait_indirect_dma semaphore(%run_scoped3A : memref<!tpu.dma_semaphore, #tpu.memory_space<semaphore_mem>>) src(%arg10 : memref<1x128xf32, #tpu.memory_space<vmem>>) dst(%dma_wait3A_224 : memref<1024x128xf32, #tpu.memory_space<vmem_shared>>)
            tpu.yield
          }) : () -> ()
          "tpu.region"() ({
            %run_scoped3A = tpu.sem_alloc : memref<!tpu.dma_semaphore, #tpu.memory_space<semaphore_mem>>
            %dma_start3A_219 = arith.constant 0 : i32
            %dma_start3A_220 = arith.constant 0 : i32
            %dma_start3A_221 = tpu.memref_slice %arg15[%dma_start3A_219, %dma_start3A_220] : memref<1024x128xf32, #tpu.memory_space<vmem_shared>> -> memref<1024x128xf32, #tpu.memory_space<vmem_shared>>
            tpu.enqueue_indirect_dma source(%arg11 : memref<1x128xf32, #tpu.memory_space<vmem>>) target(%dma_start3A_221 : memref<1024x128xf32, #tpu.memory_space<vmem_shared>>) offsets(%arg12 : memref<1xi32, #tpu.memory_space<vmem>>) semaphore(%run_scoped3A : memref<!tpu.dma_semaphore, #tpu.memory_space<semaphore_mem>>) {add = true}
            %dma_wait3A_222 = arith.constant 0 : i32
            %dma_wait3A_223 = arith.constant 0 : i32
            %dma_wait3A_224 = tpu.memref_slice %arg15[%dma_wait3A_222, %dma_wait3A_223] : memref<1024x128xf32, #tpu.memory_space<vmem_shared>> -> memref<1024x128xf32, #tpu.memory_space<vmem_shared>>
            tpu.wait_indirect_dma semaphore(%run_scoped3A : memref<!tpu.dma_semaphore, #tpu.memory_space<semaphore_mem>>) src(%arg11 : memref<1x128xf32, #tpu.memory_space<vmem>>) dst(%dma_wait3A_224 : memref<1024x128xf32, #tpu.memory_space<vmem_shared>>)
            tpu.yield
          }) : () -> ()
          scf.yield %broadcast_in_dim3A_1, %broadcast_in_dim3A_1, %broadcast_in_dim3A_1, %broadcast_in_dim3A_1, %broadcast_in_dim3A_1, %broadcast_in_dim3A_1, %broadcast_in_dim3A_1, %broadcast_in_dim3A_1 : vector<16xf32>, vector<16xf32>, vector<16xf32>, vector<16xf32>, vector<16xf32>, vector<16xf32>, vector<16xf32>, vector<16xf32>
        } else {
          scf.yield %parallel_loop3A_136#0, %parallel_loop3A_136#1, %parallel_loop3A_136#2, %parallel_loop3A_136#3, %parallel_loop3A_136#4, %parallel_loop3A_136#5, %parallel_loop3A_136#6, %parallel_loop3A_136#7 : vector<16xf32>, vector<16xf32>, vector<16xf32>, vector<16xf32>, vector<16xf32>, vector<16xf32>, vector<16xf32>, vector<16xf32>
        }
        %add3A_142 = arith.constant 1 : i32
        %add3A_143 = arith.addi %while3A_120, %add3A_142 : i32
        %select_n3A = arith.select %eq3A_137, %add3A_143, %while3A_120 : i32
        scf.yield %select_n3A, %min3A, %cond3A_141#0, %cond3A_141#1, %cond3A_141#2, %cond3A_141#3, %cond3A_141#4, %cond3A_141#5, %cond3A_141#6, %cond3A_141#7 : i32, i32, vector<16xf32>, vector<16xf32>, vector<16xf32>, vector<16xf32>, vector<16xf32>, vector<16xf32>, vector<16xf32>, vector<16xf32>
      }
      scf.yield %while3A_119#0, %while3A_119#1, %while3A_119#2, %while3A_119#3, %while3A_119#4, %while3A_119#5, %while3A_119#6, %while3A_119#7, %while3A_119#8, %while3A_119#9 : i32, i32, vector<16xf32>, vector<16xf32>, vector<16xf32>, vector<16xf32>, vector<16xf32>, vector<16xf32>, vector<16xf32>, vector<16xf32>
    }
    %scan3A_53 = arith.constant 16 : i32
    %barrier3A_54 = arith.constant 0 : index
    tpu.barrier barrier_id(%barrier3A_54)
    %mul3A_55 = arith.constant 64 : i32
    %mul3A_56 = arith.muli %arg1, %mul3A_55 : i32
    "tpu.region"() ({
      %run_scoped3A = tpu.sem_alloc : memref<!tpu.dma_semaphore, #tpu.memory_space<semaphore_mem>>
      %dma_start3A_63 = arith.constant 0 : i32
      %dma_start3A_64 = tpu.memref_slice %arg14[%mul3A_56, %dma_start3A_63] : memref<1024x128xf32, #tpu.memory_space<vmem_shared>> -> memref<64x128xf32, #tpu.memory_space<vmem_shared>>
      %dma_start3A_65 = arith.constant 0 : i32
      %dma_start3A_66 = tpu.memref_slice %arg14[%mul3A_56, %dma_start3A_65] : memref<1024x128xf32, #tpu.memory_space<vmem_shared>> -> memref<64x128xf32, #tpu.memory_space<vmem_shared>>
      tpu.enqueue_dma source(%dma_start3A_66 : memref<64x128xf32, #tpu.memory_space<vmem_shared>>) target(%arg13 : memref<64x128xf32, #tpu.memory_space<vmem>>) target_semaphore(%run_scoped3A : memref<!tpu.dma_semaphore, #tpu.memory_space<semaphore_mem>>)
      %dma_wait3A_67 = arith.constant 0 : i32
      %dma_wait3A_68 = tpu.memref_slice %arg14[%mul3A_56, %dma_wait3A_67] : memref<1024x128xf32, #tpu.memory_space<vmem_shared>> -> memref<64x128xf32, #tpu.memory_space<vmem_shared>>
      %dma_wait3A_69 = arith.constant 0 : i32
      %dma_wait3A_70 = tpu.memref_slice %arg14[%mul3A_56, %dma_wait3A_69] : memref<1024x128xf32, #tpu.memory_space<vmem_shared>> -> memref<64x128xf32, #tpu.memory_space<vmem_shared>>
      tpu.wait_dma2 semaphore(%run_scoped3A : memref<!tpu.dma_semaphore, #tpu.memory_space<semaphore_mem>>) src(%dma_wait3A_70 : memref<64x128xf32, #tpu.memory_space<vmem_shared>>) dst(%arg13 : memref<64x128xf32, #tpu.memory_space<vmem>>)
      tpu.yield
    }) : () -> ()
    %mul3A_57 = arith.constant 64 : i32
    %mul3A_58 = arith.muli %arg1, %mul3A_57 : i32
    "tpu.region"() ({
      %run_scoped3A = tpu.sem_alloc : memref<!tpu.dma_semaphore, #tpu.memory_space<semaphore_mem>>
      %dma_start3A_63 = arith.constant 0 : i32
      %dma_start3A_64 = tpu.memref_slice %arg4[%arg0, %mul3A_58, %dma_start3A_63] : memref<2x1024x128xf32, #tpu.memory_space<hbm>> -> memref<1x64x128xf32, #tpu.memory_space<hbm>>
      %dma_start3A_65 = tpu.memref_squeeze %dma_start3A_64 : memref<1x64x128xf32, #tpu.memory_space<hbm>> -> memref<64x128xf32, #tpu.memory_space<hbm>>
      %dma_start3A_66 = arith.constant 0 : i32
      %dma_start3A_67 = tpu.memref_slice %arg4[%arg0, %mul3A_58, %dma_start3A_66] : memref<2x1024x128xf32, #tpu.memory_space<hbm>> -> memref<1x64x128xf32, #tpu.memory_space<hbm>>
      %dma_start3A_68 = tpu.memref_squeeze %dma_start3A_67 : memref<1x64x128xf32, #tpu.memory_space<hbm>> -> memref<64x128xf32, #tpu.memory_space<hbm>>
      tpu.enqueue_dma source(%arg13 : memref<64x128xf32, #tpu.memory_space<vmem>>) target(%dma_start3A_68 : memref<64x128xf32, #tpu.memory_space<hbm>>) target_semaphore(%run_scoped3A : memref<!tpu.dma_semaphore, #tpu.memory_space<semaphore_mem>>)
      %dma_wait3A_69 = arith.constant 0 : i32
      %dma_wait3A_70 = tpu.memref_slice %arg4[%arg0, %mul3A_58, %dma_wait3A_69] : memref<2x1024x128xf32, #tpu.memory_space<hbm>> -> memref<1x64x128xf32, #tpu.memory_space<hbm>>
      %dma_wait3A_71 = tpu.memref_squeeze %dma_wait3A_70 : memref<1x64x128xf32, #tpu.memory_space<hbm>> -> memref<64x128xf32, #tpu.memory_space<hbm>>
      %dma_wait3A_72 = arith.constant 0 : i32
      %dma_wait3A_73 = tpu.memref_slice %arg4[%arg0, %mul3A_58, %dma_wait3A_72] : memref<2x1024x128xf32, #tpu.memory_space<hbm>> -> memref<1x64x128xf32, #tpu.memory_space<hbm>>
      %dma_wait3A_74 = tpu.memref_squeeze %dma_wait3A_73 : memref<1x64x128xf32, #tpu.memory_space<hbm>> -> memref<64x128xf32, #tpu.memory_space<hbm>>
      tpu.wait_dma2 semaphore(%run_scoped3A : memref<!tpu.dma_semaphore, #tpu.memory_space<semaphore_mem>>) src(%arg13 : memref<64x128xf32, #tpu.memory_space<vmem>>) dst(%dma_wait3A_74 : memref<64x128xf32, #tpu.memory_space<hbm>>)
      tpu.yield
    }) : () -> ()
    %mul3A_59 = arith.constant 64 : i32
    %mul3A_60 = arith.muli %arg1, %mul3A_59 : i32
    "tpu.region"() ({
      %run_scoped3A = tpu.sem_alloc : memref<!tpu.dma_semaphore, #tpu.memory_space<semaphore_mem>>
      %dma_start3A_63 = arith.constant 0 : i32
      %dma_start3A_64 = tpu.memref_slice %arg15[%mul3A_60, %dma_start3A_63] : memref<1024x128xf32, #tpu.memory_space<vmem_shared>> -> memref<64x128xf32, #tpu.memory_space<vmem_shared>>
      %dma_start3A_65 = arith.constant 0 : i32
      %dma_start3A_66 = tpu.memref_slice %arg15[%mul3A_60, %dma_start3A_65] : memref<1024x128xf32, #tpu.memory_space<vmem_shared>> -> memref<64x128xf32, #tpu.memory_space<vmem_shared>>
      tpu.enqueue_dma source(%dma_start3A_66 : memref<64x128xf32, #tpu.memory_space<vmem_shared>>) target(%arg13 : memref<64x128xf32, #tpu.memory_space<vmem>>) target_semaphore(%run_scoped3A : memref<!tpu.dma_semaphore, #tpu.memory_space<semaphore_mem>>)
      %dma_wait3A_67 = arith.constant 0 : i32
      %dma_wait3A_68 = tpu.memref_slice %arg15[%mul3A_60, %dma_wait3A_67] : memref<1024x128xf32, #tpu.memory_space<vmem_shared>> -> memref<64x128xf32, #tpu.memory_space<vmem_shared>>
      %dma_wait3A_69 = arith.constant 0 : i32
      %dma_wait3A_70 = tpu.memref_slice %arg15[%mul3A_60, %dma_wait3A_69] : memref<1024x128xf32, #tpu.memory_space<vmem_shared>> -> memref<64x128xf32, #tpu.memory_space<vmem_shared>>
      tpu.wait_dma2 semaphore(%run_scoped3A : memref<!tpu.dma_semaphore, #tpu.memory_space<semaphore_mem>>) src(%dma_wait3A_70 : memref<64x128xf32, #tpu.memory_space<vmem_shared>>) dst(%arg13 : memref<64x128xf32, #tpu.memory_space<vmem>>)
      tpu.yield
    }) : () -> ()
    %mul3A_61 = arith.constant 64 : i32
    %mul3A_62 = arith.muli %arg1, %mul3A_61 : i32
    "tpu.region"() ({
      %run_scoped3A = tpu.sem_alloc : memref<!tpu.dma_semaphore, #tpu.memory_space<semaphore_mem>>
      %dma_start3A_63 = arith.constant 0 : i32
      %dma_start3A_64 = tpu.memref_slice %arg5[%arg0, %mul3A_62, %dma_start3A_63] : memref<2x1024x128xf32, #tpu.memory_space<hbm>> -> memref<1x64x128xf32, #tpu.memory_space<hbm>>
      %dma_start3A_65 = tpu.memref_squeeze %dma_start3A_64 : memref<1x64x128xf32, #tpu.memory_space<hbm>> -> memref<64x128xf32, #tpu.memory_space<hbm>>
      %dma_start3A_66 = arith.constant 0 : i32
      %dma_start3A_67 = tpu.memref_slice %arg5[%arg0, %mul3A_62, %dma_start3A_66] : memref<2x1024x128xf32, #tpu.memory_space<hbm>> -> memref<1x64x128xf32, #tpu.memory_space<hbm>>
      %dma_start3A_68 = tpu.memref_squeeze %dma_start3A_67 : memref<1x64x128xf32, #tpu.memory_space<hbm>> -> memref<64x128xf32, #tpu.memory_space<hbm>>
      tpu.enqueue_dma source(%arg13 : memref<64x128xf32, #tpu.memory_space<vmem>>) target(%dma_start3A_68 : memref<64x128xf32, #tpu.memory_space<hbm>>) target_semaphore(%run_scoped3A : memref<!tpu.dma_semaphore, #tpu.memory_space<semaphore_mem>>)
      %dma_wait3A_69 = arith.constant 0 : i32
      %dma_wait3A_70 = tpu.memref_slice %arg5[%arg0, %mul3A_62, %dma_wait3A_69] : memref<2x1024x128xf32, #tpu.memory_space<hbm>> -> memref<1x64x128xf32, #tpu.memory_space<hbm>>
      %dma_wait3A_71 = tpu.memref_squeeze %dma_wait3A_70 : memref<1x64x128xf32, #tpu.memory_space<hbm>> -> memref<64x128xf32, #tpu.memory_space<hbm>>
      %dma_wait3A_72 = arith.constant 0 : i32
      %dma_wait3A_73 = tpu.memref_slice %arg5[%arg0, %mul3A_62, %dma_wait3A_72] : memref<2x1024x128xf32, #tpu.memory_space<hbm>> -> memref<1x64x128xf32, #tpu.memory_space<hbm>>
      %dma_wait3A_74 = tpu.memref_squeeze %dma_wait3A_73 : memref<1x64x128xf32, #tpu.memory_space<hbm>> -> memref<64x128xf32, #tpu.memory_space<hbm>>
      tpu.wait_dma2 semaphore(%run_scoped3A : memref<!tpu.dma_semaphore, #tpu.memory_space<semaphore_mem>>) src(%arg13 : memref<64x128xf32, #tpu.memory_space<vmem>>) dst(%dma_wait3A_74 : memref<64x128xf32, #tpu.memory_space<hbm>>)
      tpu.yield
    }) : () -> ()
    return
  }
}

module attributes {stable_mosaic.version = 14 : i64} {
  func.func @_tc_body(%arg0: i32, %arg1: memref<1x1x1280xi32, #tpu.memory_space<vmem>>, %arg2: memref<1280x128xf32, #tpu.memory_space<vmem>>, %arg3: memref<1024x128xf32, #tpu.memory_space<vmem>>, %arg4: memref<1024x128xf32, #tpu.memory_space<vmem>>, %arg5: memref<1024x128xf32, #tpu.memory_space<vmem>>, %arg6: memref<1024x1xf32, #tpu.memory_space<vmem>>) attributes {dimension_semantics = [#tpu.dimension_semantics<arbitrary>], iteration_bounds = array<i64: 58>, scalar_prefetch = 0 : i64, scratch_operands = 2 : i64, tpu.core_type = #tpu.core_type<tc>, window_params = [{transform_indices = @transform_0, window_bounds = array<i64: 1, 1, 1280>}, {transform_indices = @transform_1, window_bounds = array<i64: 1280, 128>}, {pipeline_mode = #tpu.pipeline_mode<synchronous>, transform_indices = @transform_2, window_bounds = array<i64: 1024, 128>}, {pipeline_mode = #tpu.pipeline_mode<synchronous>, transform_indices = @transform_3, window_bounds = array<i64: 1024, 128>}]} {
    %eq3A = arith.constant 0 : i32
    %eq3A_0 = arith.cmpi eq, %arg0, %eq3A : i32
    %convert_element_type3A = arith.extui %eq3A_0 : i1 to i32
    %cond3A = arith.constant 0 : i32
    %cond3A_1 = arith.cmpi ne, %convert_element_type3A, %cond3A : i32
    scf.if %cond3A_1 {
      %broadcast_in_dim3A_33 = arith.constant 0.000000e+00 : f32
      %broadcast_in_dim3A_34 = vector.broadcast %broadcast_in_dim3A_33 : f32 to vector<1024x128xf32>
      %swap3A_35 = arith.constant 0 : index
      %swap3A_36 = arith.constant 0 : index
      %swap3A_37 = vector.load %arg5[%swap3A_35, %swap3A_36] : memref<1024x128xf32, #tpu.memory_space<vmem>>, vector<1024x128xf32>
      tpu.vector_store %arg5[%swap3A_35, %swap3A_36], %broadcast_in_dim3A_34 {strides = array<i32>} : memref<1024x128xf32, #tpu.memory_space<vmem>>, vector<1024x128xf32>,
      %broadcast_in_dim3A_38 = arith.constant 0.000000e+00 : f32
      %broadcast_in_dim3A_39 = vector.broadcast %broadcast_in_dim3A_38 : f32 to vector<1024x1xf32>
      %swap3A_40 = arith.constant 0 : index
      %swap3A_41 = arith.constant 0 : index
      %swap3A_42 = vector.load %arg6[%swap3A_40, %swap3A_41] : memref<1024x1xf32, #tpu.memory_space<vmem>>, vector<1024x1xf32>
      tpu.vector_store %arg6[%swap3A_40, %swap3A_41], %broadcast_in_dim3A_39 {strides = array<i32>} : memref<1024x1xf32, #tpu.memory_space<vmem>>, vector<1024x1xf32>,
    } else {
    }
    %get3A = arith.constant 0 : index
    %get3A_2 = arith.constant 0 : index
    %get3A_3 = arith.constant 0 : index
    %get3A_4 = vector.load %arg1[%get3A, %get3A_2, %get3A_3] : memref<1x1x1280xi32, #tpu.memory_space<vmem>>, vector<1x1x1280xi32>
    %get3A_5 = vector.shape_cast %get3A_4 : vector<1x1x1280xi32> to vector<1280xi32>
    %iota3A = tpu.iota {dimensions = array<i32: 0>} : vector<1024x1280xi32>
    %broadcast_in_dim3A = vector.shape_cast %get3A_5 : vector<1280xi32> to vector<1x1280xi32>
    %eq3A_6 = vector.broadcast %broadcast_in_dim3A : vector<1x1280xi32> to vector<1024x1280xi32>
    %eq3A_7 = arith.cmpi eq, %iota3A, %eq3A_6 : vector<1024x1280xi32>
    %convert_element_type3A_8 = arith.extui %eq3A_7 : vector<1024x1280xi1> to vector<1024x1280xi32>
    %convert_element_type3A_9 = arith.sitofp %convert_element_type3A_8 : vector<1024x1280xi32> to vector<1024x1280xf32>
    %get3A_10 = arith.constant 0 : index
    %get3A_11 = arith.constant 0 : index
    %get3A_12 = vector.load %arg5[%get3A_10, %get3A_11] : memref<1024x128xf32, #tpu.memory_space<vmem>>, vector<1024x128xf32>
    %get3A_13 = arith.constant 0 : index
    %get3A_14 = arith.constant 0 : index
    %get3A_15 = vector.load %arg2[%get3A_13, %get3A_14] : memref<1280x128xf32, #tpu.memory_space<vmem>>, vector<1280x128xf32>
    %dot_general3A = arith.constant dense<0.000000e+00> : vector<1024x128xf32>
    %dot_general3A_16 = tpu.matmul %convert_element_type3A_9, %get3A_15, %dot_general3A {dimension_numbers = #tpu.dot_dimension_numbers<[1], [0], [0], [1], [0, 0, 1, 1], [], []>, transpose_lhs_hint = false} : vector<1024x1280xf32>, vector<1280x128xf32>, vector<1024x128xf32> -> vector<1024x128xf32>
    %add3A = arith.addf %get3A_12, %dot_general3A_16 : vector<1024x128xf32>
    %swap3A = arith.constant 0 : index
    %swap3A_17 = arith.constant 0 : index
    %swap3A_18 = vector.load %arg5[%swap3A, %swap3A_17] : memref<1024x128xf32, #tpu.memory_space<vmem>>, vector<1024x128xf32>
    tpu.vector_store %arg5[%swap3A, %swap3A_17], %add3A {strides = array<i32>} : memref<1024x128xf32, #tpu.memory_space<vmem>>, vector<1024x128xf32>,
    %get3A_19 = arith.constant 0 : index
    %get3A_20 = arith.constant 0 : index
    %get3A_21 = vector.load %arg6[%get3A_19, %get3A_20] : memref<1024x1xf32, #tpu.memory_space<vmem>>, vector<1024x1xf32>
    %reduce_sum3A = arith.constant dense<0.000000e+00> : vector<1024xf32>
    %reduce_sum3A_22 = vector.multi_reduction <add>, %convert_element_type3A_9, %reduce_sum3A [1] : vector<1024x1280xf32> to vector<1024xf32>
    %broadcast_in_dim3A_23 = vector.shape_cast %reduce_sum3A_22 : vector<1024xf32> to vector<1024x1xf32>
    %add3A_24 = arith.addf %get3A_21, %broadcast_in_dim3A_23 : vector<1024x1xf32>
    %swap3A_25 = arith.constant 0 : index
    %swap3A_26 = arith.constant 0 : index
    %swap3A_27 = vector.load %arg6[%swap3A_25, %swap3A_26] : memref<1024x1xf32, #tpu.memory_space<vmem>>, vector<1024x1xf32>
    tpu.vector_store %arg6[%swap3A_25, %swap3A_26], %add3A_24 {strides = array<i32>} : memref<1024x1xf32, #tpu.memory_space<vmem>>, vector<1024x1xf32>,
    %eq3A_28 = arith.constant 57 : i32
    %eq3A_29 = arith.cmpi eq, %arg0, %eq3A_28 : i32
    %convert_element_type3A_30 = arith.extui %eq3A_29 : i1 to i32
    %cond3A_31 = arith.constant 0 : i32
    %cond3A_32 = arith.cmpi ne, %convert_element_type3A_30, %cond3A_31 : i32
    scf.if %cond3A_32 {
      %get3A_33 = arith.constant 0 : index
      %get3A_34 = arith.constant 0 : index
      %get3A_35 = vector.load %arg5[%get3A_33, %get3A_34] : memref<1024x128xf32, #tpu.memory_space<vmem>>, vector<1024x128xf32>
      %swap3A_36 = arith.constant 0 : index
      %swap3A_37 = arith.constant 0 : index
      %swap3A_38 = vector.load %arg3[%swap3A_36, %swap3A_37] : memref<1024x128xf32, #tpu.memory_space<vmem>>, vector<1024x128xf32>
      tpu.vector_store %arg3[%swap3A_36, %swap3A_37], %get3A_35 {strides = array<i32>} : memref<1024x128xf32, #tpu.memory_space<vmem>>, vector<1024x128xf32>,
      %get3A_39 = arith.constant 0 : index
      %get3A_40 = arith.constant 0 : index
      %get3A_41 = vector.load %arg6[%get3A_39, %get3A_40] : memref<1024x1xf32, #tpu.memory_space<vmem>>, vector<1024x1xf32>
      %broadcast_in_dim3A_42 = vector.shape_cast %get3A_41 : vector<1024x1xf32> to vector<1024x1xf32>
      %broadcast_in_dim3A_43 = vector.broadcast %broadcast_in_dim3A_42 : vector<1024x1xf32> to vector<1024x128xf32>
      %swap3A_44 = arith.constant 0 : index
      %swap3A_45 = arith.constant 0 : index
      %swap3A_46 = vector.load %arg4[%swap3A_44, %swap3A_45] : memref<1024x128xf32, #tpu.memory_space<vmem>>, vector<1024x128xf32>
      tpu.vector_store %arg4[%swap3A_44, %swap3A_45], %broadcast_in_dim3A_43 {strides = array<i32>} : memref<1024x128xf32, #tpu.memory_space<vmem>>, vector<1024x128xf32>,
    } else {
    }
    return
  }
  func.func @transform_0(%arg0: i32) -> (i32, i32, i32) {
    %add3A = arith.constant 192 : i32
    %add3A_0 = arith.addi %add3A, %arg0 : i32
    %c0_i32 = arith.constant 0 : i32
    %c0_i32_1 = arith.constant 0 : i32
    %c0_i32_2 = arith.constant 0 : i32
    return %add3A_0, %c0_i32, %c0_i32_1 : i32, i32, i32
  }
  func.func @transform_1(%arg0: i32) -> (i32, i32) {
    %add3A = arith.constant 192 : i32
    %add3A_0 = arith.addi %add3A, %arg0 : i32
    %c0_i32 = arith.constant 0 : i32
    %c0_i32_1 = arith.constant 0 : i32
    return %add3A_0, %c0_i32 : i32, i32
  }
  func.func @transform_2(%arg0: i32) -> (i32, i32) {
    %c0_i32 = arith.constant 0 : i32
    %c0_i32_0 = arith.constant 0 : i32
    %c0_i32_1 = arith.constant 0 : i32
    return %c0_i32, %c0_i32_0 : i32, i32
  }
  func.func @transform_3(%arg0: i32) -> (i32, i32) {
    %c0_i32 = arith.constant 0 : i32
    %c0_i32_0 = arith.constant 0 : i32
    %c0_i32_1 = arith.constant 0 : i32
    return %c0_i32, %c0_i32_0 : i32, i32
  }
}

module attributes {stable_mosaic.version = 14 : i64} {
  func.func @_combine_body(%arg0: memref<2x1024x128xf32, #tpu.memory_space<vmem>>, %arg1: memref<2x1024x128xf32, #tpu.memory_space<vmem>>, %arg2: memref<1024x128xf32, #tpu.memory_space<vmem>>, %arg3: memref<1024x128xf32, #tpu.memory_space<vmem>>, %arg4: memref<1024x128xf32, #tpu.memory_space<vmem>>) attributes {dimension_semantics = [], scalar_prefetch = 0 : i64, scratch_operands = 0 : i64, tpu.core_type = #tpu.core_type<tc>} {
    %get3A = arith.constant 0 : index
    %get3A_0 = arith.constant 0 : index
    %get3A_1 = arith.constant 0 : index
    %get3A_2 = vector.load %arg0[%get3A, %get3A_0, %get3A_1] : memref<2x1024x128xf32, #tpu.memory_space<vmem>>, vector<1x1024x128xf32>
    %get3A_3 = vector.shape_cast %get3A_2 : vector<1x1024x128xf32> to vector<1024x128xf32>
    %get3A_4 = arith.constant 1 : index
    %get3A_5 = arith.constant 0 : index
    %get3A_6 = arith.constant 0 : index
    %get3A_7 = vector.load %arg0[%get3A_4, %get3A_5, %get3A_6] : memref<2x1024x128xf32, #tpu.memory_space<vmem>>, vector<1x1024x128xf32>
    %get3A_8 = vector.shape_cast %get3A_7 : vector<1x1024x128xf32> to vector<1024x128xf32>
    %add3A = arith.addf %get3A_3, %get3A_8 : vector<1024x128xf32>
    %get3A_9 = arith.constant 0 : index
    %get3A_10 = arith.constant 0 : index
    %get3A_11 = vector.load %arg2[%get3A_9, %get3A_10] : memref<1024x128xf32, #tpu.memory_space<vmem>>, vector<1024x128xf32>
    %add3A_12 = arith.addf %add3A, %get3A_11 : vector<1024x128xf32>
    %get3A_13 = arith.constant 0 : index
    %get3A_14 = arith.constant 0 : index
    %get3A_15 = arith.constant 0 : index
    %get3A_16 = vector.load %arg1[%get3A_13, %get3A_14, %get3A_15] : memref<2x1024x128xf32, #tpu.memory_space<vmem>>, vector<1x1024x128xf32>
    %get3A_17 = vector.shape_cast %get3A_16 : vector<1x1024x128xf32> to vector<1024x128xf32>
    %get3A_18 = arith.constant 1 : index
    %get3A_19 = arith.constant 0 : index
    %get3A_20 = arith.constant 0 : index
    %get3A_21 = vector.load %arg1[%get3A_18, %get3A_19, %get3A_20] : memref<2x1024x128xf32, #tpu.memory_space<vmem>>, vector<1x1024x128xf32>
    %get3A_22 = vector.shape_cast %get3A_21 : vector<1x1024x128xf32> to vector<1024x128xf32>
    %add3A_23 = arith.addf %get3A_17, %get3A_22 : vector<1024x128xf32>
    %get3A_24 = arith.constant 0 : index
    %get3A_25 = arith.constant 0 : index
    %get3A_26 = vector.load %arg3[%get3A_24, %get3A_25] : memref<1024x128xf32, #tpu.memory_space<vmem>>, vector<1024x128xf32>
    %add3A_27 = arith.addf %add3A_23, %get3A_26 : vector<1024x128xf32>
    %max3A = arith.constant 1.000000e+00 : f32
    %max3A_28 = vector.broadcast %max3A : f32 to vector<1024x128xf32>
    %max3A_29 = arith.maximumf %add3A_27, %max3A_28 : vector<1024x128xf32>
    %div3A = arith.divf %add3A_12, %max3A_29 : vector<1024x128xf32>
    %swap3A = arith.constant 0 : index
    %swap3A_30 = arith.constant 0 : index
    %swap3A_31 = vector.load %arg4[%swap3A, %swap3A_30] : memref<1024x128xf32, #tpu.memory_space<vmem>>, vector<1024x128xf32>
    tpu.vector_store %arg4[%swap3A, %swap3A_30], %div3A {strides = array<i32>} : memref<1024x128xf32, #tpu.memory_space<vmem>>, vector<1024x128xf32>,
    return
  }
}

</mosaic_0001>

<sc_bundles>
// kernel: _pool.5.cloned.1.call-start
scs
__scs_entry_jumppad:
0x0: {  	(pc) =	sbr.rel $0x88, $3  }
0x1: {  	(tag) =	ssettag $0x0;
	lr =	simm.s32 $0x1  }
0x2: {  	[smem:$0x3F9F] =	sst lr;
	_ =	strace $0xD0000000  }
0x3: {  	_ = 	snop  }
0x4: {  	_ = 	snop  }
0x5: {  	_ = 	snop  }
0x6: {  	_ = 	snop  }
0x7: {  	_ = 	snop  }
__scs_overlays_trampoline_lowered:
0x8: {  	[smem:$0x3FAE] =	sst s0  }
0x9: {  	[smem:$0x3FAF] =	sst s1  }
0xa: {  	[smem:$0x3FB0] =	sst s2  }
0xb: {  	[smem:$0x3FB1] =	sst s3  }
0xc: {  	[smem:$0x3FB2] =	sst s4  }
0xd: {  	[smem:$0x3FB3] =	sst s5  }
0xe: {  	[smem:$0x3FB4] =	sst s6  }
0xf: {  	[smem:$0x3FB5] =	sst s7  }
0x10: {  	[smem:$0x3FB6] =	sst s8  }
0x11: {  	[smem:$0x3FB7] =	sst s9;
	s0 =	simm.s32 @!p0 $0x0  }
0x12: {  	s1 =	sld [smem:$0x3F9D];
	s0 =	simm.s32 @p0 $0x1  }
0x13: {  	[smem:$0x3FB8] =	sst s0;
	s0 =	simm.s32 @!p1 $0x0  }
0x14: {  	s2 =	sld [smem:$0x3F9C];
	s0 =	simm.s32 @p1 $0x1  }
0x15: {  	[smem:$0x3FB9] =	sst s0;
	s0 =	simm.s32 @!p2 $0x0  }
0x16: {  	s3 =	sld [smem:$0x3FDB];
	s0 =	simm.s32 @p2 $0x1  }
0x17: {  	s4 =	simm.s32 $0x1BF5;
	[smem:$0x3FBB] =	sst s0  }
0x18: {  	s0 =	sld [smem:$0x3F9E];
	_ =	swait.ge [sflag:s4], $0x0  }
0x19: {  	s7 =	sld [smem:$0x3F9F]  }
0x1a: {  	s8 =	sadd.s32 $0xFFFFE003, lr  }
0x1b: {  	s9 =	sadd.s32 $0xFFFFFEF7, lr;
	s5 =	simm.s32 $0xFFFFFFFF;
	p2 =	slt.u32 s8, $0xFFFFF086  }
0x1c: {  	p1 =	slt.u32 s9, $0xF7A;
	s5 =	simm.s32 @!p2 $0x0  }
0x1d: {  	s5 =	simm.s32 @p1 $0x1;
	p0 =	seq.s32 s7, s2  }
0x1e: {  	s7 =	smul.u32 @!p0 $0xF7A, s2;
	p2 =	seq.s32 @!p0 s5, $0x0  }
0x1f: {  	s9 =	smul.u32 $0xF7A, s1;
	s8 =	simm.s32 @!p0 $0x1BF5;
	p2 =	por !p2, p0  }
0x20: {  	[sflag:s8] =	ssyncset.s32 @!p0 $0xFFFFF086;
	s6 =	sadd.s32 @!p0 s3, s7;
	s7 =	simm.s32 @!p0 $0x108  }
0x21: {  	s3 =	sadd.s32 s3, s9;
	s6 =	sadd.s32 @!p0 $0x88, s6;
	s7 =	simm.s32 @p2 $0x1082  }
0x22: {  	[simem:s7], [sflag:s8] =	dma.local @!p0 [hbm:s6], $0xF7A  }
0x23: {  	s9 =	sor.u32 $0xD0000000, s2;
	s6 =	simm.s32 $0x108;
	_ =	swait.ge @!p0 [sflag:s8], $0x0  }
0x24: {  	s3 =	sadd.s32 $0x88, s3;
	s6 =	simm.s32 @!p1 $0x1082;
	[sflag:s4] =	ssyncset.s32 $0xFFFFF086  }
0x25: {  	[simem:s6], [sflag:s4] =	dma.local [hbm:s3], $0xF7A  }
0x26: {  	[smem:$0x3F9F] =	sst s1;
	(tag) =	ssettag s2;
	_ =	strace s9  }
0x27: {  	s1 =	sld [smem:$0x3FAF]  }
0x28: {  	s2 =	sld [smem:$0x3FB0]  }
0x29: {  	s4 =	sld [smem:$0x3FB2]  }
0x2a: {  	p0 =	seq.s32 s5, $0x0;
	s5 =	sld [smem:$0x3FB3]  }
0x2b: {  	s6 =	sld [smem:$0x3FB4]  }
0x2c: {  	s7 =	sld [smem:$0x3FB5]  }
0x2d: {  	s3 =	simm.s32 $0x108;
	s8 =	sld [smem:$0x3FB6]  }
0x2e: {  	s3 =	simm.s32 @!p0 $0x1082;
	s9 =	sld [smem:$0x3FB7]  }
0x2f: {  	lr =	sadd.s32 s0, s3;
	s0 =	sld [smem:$0x3FAE]  }
0x30: {  	s3 =	sld [smem:$0x3FB1]  }
0x31: {  	[smem:$0x3FBA] =	sst s10  }
0x32: {  	s10 =	sld [smem:$0x3FB8];
	_ =	sdelay $0x3  }
0x33: {  	p0 =	seq.s32 s10, $0x1;
	s10 =	sld [smem:$0x3FBA];
	_ =	sdelay $0x3  }
0x34: {  	[smem:$0x3FBA] =	sst s10  }
0x35: {  	s10 =	sld [smem:$0x3FB9];
	_ =	sdelay $0x3  }
0x36: {  	p1 =	seq.s32 s10, $0x1;
	s10 =	sld [smem:$0x3FBA];
	_ =	sdelay $0x3  }
0x37: {  	[smem:$0x3FBA] =	sst s10  }
0x38: {  	s10 =	sld [smem:$0x3FBB]  }
0x39: {  	_ = 	snop;
	(pc) =	sbr.ind lr, $3  }
0x3a: {  	_ = 	snop  }
0x3b: {  	_ = 	snop  }
0x3c: {  	p2 =	seq.s32 s10, $0x1;
	s10 =	sld [smem:$0x3FBA]  }
0x3d: {  	_ =	shalt  }
0x3e: {  	_ =	shalt  }
0x3f: {  	_ =	shalt  }
0x40: {  	_ =	shalt  }
0x41: {  	_ =	shalt  }
0x42: {  	_ =	shalt  }
0x43: {  	_ =	shalt  }
0x44: {  	_ =	shalt  }
0x45: {  	_ =	shalt  }
0x46: {  	_ =	shalt  }
0x47: {  	_ =	shalt  }
0x48: {  	_ =	shalt  }
0x49: {  	_ =	shalt  }
0x4a: {  	_ =	shalt  }
0x4b: {  	_ =	shalt  }
0x4c: {  	_ =	shalt  }
0x4d: {  	_ =	shalt  }
0x4e: {  	_ =	shalt  }
0x4f: {  	_ =	shalt  }
0x50: {  	_ =	shalt  }
0x51: {  	_ =	shalt  }
0x52: {  	_ =	shalt  }
0x53: {  	_ =	shalt  }
0x54: {  	_ =	shalt  }
0x55: {  	_ =	shalt  }
0x56: {  	_ =	shalt  }
0x57: {  	_ =	shalt  }
0x58: {  	_ =	shalt  }
0x59: {  	_ =	shalt  }
0x5a: {  	_ =	shalt  }
0x5b: {  	_ =	shalt  }
0x5c: {  	_ =	shalt  }
0x5d: {  	_ =	shalt  }
0x5e: {  	_ =	shalt  }
0x5f: {  	_ =	shalt  }
0x60: {  	_ =	shalt  }
0x61: {  	_ =	shalt  }
0x62: {  	_ =	shalt  }
0x63: {  	_ =	shalt  }
0x64: {  	_ =	shalt  }
0x65: {  	_ =	shalt  }
0x66: {  	_ =	shalt  }
0x67: {  	_ =	shalt  }
0x68: {  	_ =	shalt  }
0x69: {  	_ =	shalt  }
0x6a: {  	_ =	shalt  }
0x6b: {  	_ =	shalt  }
0x6c: {  	_ =	shalt  }
0x6d: {  	_ =	shalt  }
0x6e: {  	_ =	shalt  }
0x6f: {  	_ =	shalt  }
0x70: {  	_ =	shalt  }
0x71: {  	_ =	shalt  }
0x72: {  	_ =	shalt  }
0x73: {  	_ =	shalt  }
0x74: {  	_ =	shalt  }
0x75: {  	_ =	shalt  }
0x76: {  	_ =	shalt  }
0x77: {  	_ =	shalt  }
0x78: {  	_ =	shalt  }
0x79: {  	_ =	shalt  }
0x7a: {  	_ =	shalt  }
0x7b: {  	_ =	shalt  }
0x7c: {  	_ =	shalt  }
0x7d: {  	_ =	shalt  }
0x7e: {  	_ =	shalt  }
0x7f: {  	_ =	shalt  }
0x80: {  	_ =	shalt  }
0x81: {  	_ =	shalt  }
0x82: {  	_ =	shalt  }
0x83: {  	_ =	shalt  }
0x84: {  	_ =	shalt  }
0x85: {  	_ =	shalt  }
0x86: {  	_ =	shalt  }
0x87: {  	_ =	shalt  }
.Lfunc_end0:
.L_simem_size_0:
called_computation_lowered:
.L_overlay_start_0:
0x88: {  	s2 =	sld [smem:$0x3FD9]  }
0x89: {  	s3 =	sld [smem:$0x3FFE];
	_ =	sdelay $0x1  }
0x8a: {  	s1 =	srdreg.scid  }
0x8b: {  	s0 =	sand.u32 $0x1, s1  }
0x8c: {  	s17 =	sshll.u32 s0, $0xA;
	s2 =	sadd.s32 s3, s2  }
0x8d: {  	s2 =	sadd.s32 s2, s17  }
0x8e: {  	[smem:$0x3FC6] =	sst s2  }
0x8f: {  	_ = 	snop  }
0x90: {  	s2 =	sld [smem:$0x3FC9]  }
0x91: {  	s18 =	sld [smem:$0x3FC8];
	(tm) =	ssettm $0x1  }
0x92: {  	s4 =	sld [smem:$0x3FFB];
	_ =	sdelay $0x3  }
0x93: {  	_ =	strace s4  }
0x94: {  	s4 =	sld [smem:$0x3FFC];
	_ =	sdelay $0x3  }
0x95: {  	_ =	strace s4  }
0x96: {  	s4 =	sld [smem:$0x3FFD];
	_ =	sdelay $0x3  }
0x97: {  	_ =	strace s4  }
0x98: {  	_ =	strace $0x8FFFFFFF  }
0x99: {  	s19 =	sld [smem:$0x3FDB];
	_ =	sdelay $0x1  }
0x9a: {  	s5 =	simm.s32 $_scs_section_size  }
0x9b: {  	s6 =	simm.s32 $_size__tile_overlayer_lowered;
	s7 =	simm.s32 $_tile_overlayer_lowered  }
0x9c: {  	s22 =	simm.s32 $0x1BFF;
	s21 =	sshll.u32 s7, $0x1;
	s4 =	sadd.s32 s5, s19  }
0x9d: {  	s8 =	simm.s32 $0x0;
	s20 =	sshll.u32 s6, $0x1;
	s6 =	sadd.s32 s21, s4  }
0x9e: {  	[timem:s8], [sflag:s22] =	dma.local [hbm:s6], s20  }
0x9f: {  	_ =	swait.ge [sflag:s22], s20  }
0xa0: {  	s5 =	ssub.s32 $0x0, s20;
	[sflag:s22] =	ssyncset.done $0x0  }
0xa1: {  	[sflag:s22] =	ssyncadd.s32 s5;
	_ =	sdelay $0x1  }
0xa2: {  	s23 =	simm.s32 $0x1B8B  }
0xa3: {  	_ =	swait.ge [sflag:s23], $0x1  }
0xa4: {  	[sflag:s23] =	ssyncset.done $0x0  }
0xa5: {  	s25 =	simm.s32 $0x1B8E;
	s24 =	sld [smem:$0x3FFE];
	[sflag:s23] =	ssyncadd.s32 $0xFFFFFFFF  }
0xa6: {  	s26 =	simm.s32 $execute0_lowered;
	[smem:$0x3FD2] =	sst s25  }
0xa7: {  	s6 =	sshll.u32 s26, $0x1;
	_ =	strace $0x80000046;
	[dreg:$0x1] =	wrdreg $0xFFFFFFFF  }
0xa8: {  	s28 =	simm.s32 $_size_execute0_lowered;
	s4 =	sadd.s32 s4, s6;
	[dreg:$0x0] =	wrdreg $0x0  }
0xa9: {  	s6 =	sshll.u32 s28, $0x1;
	[dreg:$0x2] =	wrdreg s4  }
0xaa: {  	[dreg:$0x3] =	wrdreg s6  }
0xab: {  	[dreg:$0x4] =	wrdreg $0xC0  }
0xac: {  	_ =	task [dreg:s8], $0x5FFFF  }
0xad: {  	[dreg:$0x1] =	wrdreg $0xFFFFFFFF  }
0xae: {  	[dreg:$0x0] =	wrdreg $0x60  }
0xaf: {  	[dreg:$0x2] =	wrdreg s2  }
0xb0: {  	[dreg:$0x3] =	wrdreg s18  }
0xb1: {  	[dreg:$0x4] =	wrdreg s24  }
0xb2: {  	[dreg:$0x5] =	wrdreg $0x134800  }
0xb3: {  	[dreg:$0x6] =	wrdreg $0x154800  }
0xb4: {  	[dreg:$0x7] =	wrdreg $0x9  }
0xb5: {  	_ =	task.clear_ibuf [dreg:s8], $0x8FFFF;
	_ =	strace $0x90000046  }
0xb6: {  	s29 =	simm.s32 $0x9;
	_ =	strace $0x80000048  }
0xb7: {  	_ =	swait.ge [sflag:s29], $0x1  }
0xb8: {  	[sflag:s29] =	ssyncadd.s32 $0xFFFFFFFF  }
0xb9: {  	_ =	strace $0x90000048  }
0xba: {  	_ =	sfence  }
0xbb: {  	s30 =	sld [smem:$0x0];
	_ =	sdelay $0x2  }
0xbc: {  	s31 =	sshll.u32 s1, $0xD;
	s1 =	sshrl.u32 s1, $0x2  }
0xbd: {  	s3 =	sand.u32 $0x4000, s31;
	s1 =	sadd.s32 s1, s30  }
0xbe: {  	s0 =	sor.u32 s3, s0;
	s1 =	sshll.u32 s1, $0x11  }
0xbf: {  	s0 =	sor.u32 s1, s0  }
0xc0: {  	s0 =	sadd.s32 $0x8F2B, s0  }
0xc1: {  	[sflag:s0] =	ssyncadd.remote.s32 $0x1  }
0xc2: {  	_ =	sfence.sel $0xFFFF  }
0xc3: {  	[dreg:$0x0] =	wrdreg $0xFFFFFFFF;
	(pc) =	sbr.abs _section_cstart, $3  }
0xc4: {  	[dreg:$0x1] =	wrdreg $0xFFFFFFFF  }
0xc5: {  	_ =	task.clear_ibuf [dreg:s8], $0x2FFFF;
	_ =	strace $0x9FFFFFFF  }
0xc6: {  	(tm) =	ssettm $0x7FFFFFFF  }
0xc7: {  	_ =	shalt  }
tec
execute0_lowered:
.L_overlay_start_1:
0x0: {  	(tag) =	ssettag $0x1  }
0x1: {  	s1 =	rddreg [dreg:$0x0]  }
0x2: {  	s0 =	rddreg [dreg:$0x1]  }
0x3: {  	s5 =	rddreg [dreg:$0x2]  }
0x4: {  	s2 =	rddreg [dreg:$0x3]  }
0x5: {  	s3 =	rddreg [dreg:$0x4];
	s4 =	simm.s32 $0x0;
	s6 =	srdreg.scid  }
0x6: {  	s10 =	stileid.u32;
	s17 =	simm.s32 $0x11480;
	s18 =	simm.s32 $0x4  }
0x7: {  	s20 =	simm.s32 $0x10E80;
	s21 =	simm.s32 $0x2;
	s6 =	sand.u32 $0x1, s6  }
0x8: {  	s22 =	simm.s32 $0x9680;
	[smem:$0x7FF] =	sst s4;
	s7 =	sshll.u32 s6, $0x4  }
0x9: {  	s8 =	sshll.u32 s10, $0xD;
	s24 =	ssub.s32 $0x2, s6;
	s7 =	sor.u32 s10, s7  }
0xa: {  	s9 =	sshll.u32 s6, $0x11;
	s11 =	sshrl.u32 s24, $0x1;
	s6 =	smul.u32 $0x1E00, s7  }
0xb: {  	s9 =	sor.u32 s8, s9;
	s7 =	smul.u32 $0x1E000, s7;
	s25 =	ssub.s32 s24, s11  }
0xc: {  	_ =	strace $0x80000047;
	s9 =	sshrl.u32 s9, $0x3;
	s31 =	smax.u32 s25, $0x1  }
0xd: {  	s5 =	sadd.s32 s9, s5;
	s28 =	sadd.s32 s1, s7;
	[dreg:$0xb] =	wrdreg s31  }
.Ltmp0:
0xe: {  	s29 =	sadd.s32 $0x1000, s5;
	[dreg:$0x7] =	wrdreg s28;
	(pc) =	sbr.rel .LBB2_1-.Ltmp0, $4  }
0xf: {  	s26 =	sshrl.u32 s6, $0x3;
	s30 =	sadd.s32 $0x9000, s5;
	[dreg:$0x9] =	wrdreg s29  }
0x10: {  	s7 =	sadd.s32 s8, s2;
	s8 =	sadd.s32 s8, s3;
	[dreg:$0xa] =	wrdreg s30  }
0x11: {  	v0 =	vimm.f32 $0.0e+00;
	v1 =	vimm.s32 $0xF;
	s23 =	simm.s32 $0x3;
	s0 =	sadd.s32 s0, s26;
	[dreg:$0x8] =	wrdreg s8  }
0x12: {  	v2 =	vimm.s32 $0x0;
	v3 =	vlaneseq.u32;
	v4 =	vimm.s32 $0x1E00;
	s24 =	simm.s32 $0x0;
	s11 =	sor.u32 $0x1E0, s6;
	[dreg:$0x6] =	wrdreg s0  }
.LBB2_25:
0x13: {  	[bflag:$0x0] =	sbarrier.arrive $0xFFFF  }
0x14: {  	[tilespmem:s17], [sflag:$0x4] =	stream.linear.gather [spmem:s10], $0x2000, $0x38;
	[tilespmem:$0x17480] =	vst v63  }
0x15: {  	_ =	swait.ge [sflag:s18], $0x2000  }
0x16: {  	[sflag:s18] =	ssyncset.done $0x0  }
0x17: {  	s0 =	rddreg [dreg:$0x9];
	[sflag:s18] =	ssyncadd.s32 $0xFFFFE000  }
0x18: {  	[hbm4b:s0+s4] =	stream.linear.scatter [tilespmem:s17], [sflag:$0x4], $0x2000, $0x38;
	[tilespmem:$0x17480] =	vst v63  }
0x19: {  	_ =	swait.ge [sflag:s18], $0x2000  }
0x1a: {  	[sflag:s18] =	ssyncset.done $0x0  }
0x1b: {  	s8 =	rddreg [dreg:$0x8];
	[sflag:s18] =	ssyncadd.s32 $0xFFFFE000  }
0x1c: {  	[tilespmem:s17], [sflag:$0x4] =	stream.linear.gather [spmem:s8], $0x2000, $0x38;
	[tilespmem:$0x17480] =	vst v63  }
0x1d: {  	_ =	swait.ge [sflag:s18], $0x2000  }
0x1e: {  	[sflag:s18] =	ssyncset.done $0x0  }
0x1f: {  	s30 =	rddreg [dreg:$0xa];
	[sflag:s18] =	ssyncadd.s32 $0xFFFFE000  }
0x20: {  	[hbm4b:s30+s4] =	stream.linear.scatter [tilespmem:s17], [sflag:$0x4], $0x2000, $0x38;
	[tilespmem:$0x17480] =	vst v63  }
0x21: {  	_ =	swait.ge [sflag:s18], $0x2000  }
0x22: {  	s24 =	sadd.s32 $0x1, s24;
	s31 =	rddreg [dreg:$0xb]  }
0x23: {  	p0 =	sne.s32 s24, s31  }
.Ltmp1:
0x24: {  	_ = 	snop;
	(pc) =	sbr.rel @!p0 .LBB2_26-.Ltmp1, $3  }
0x25: {  	_ =	sdelay $0x1  }
0x26: {  	[sflag:s18] =	ssyncset.done $0x0  }
0x27: {  	s7 =	smov.u32 s10;
	[sflag:s18] =	ssyncadd.s32 $0xFFFFE000  }
.LBB2_1:
0x28: {  	s0 =	rddreg [dreg:$0x6]  }
0x29: {  	s5 =	simm.s32 $0x10;
	s30 =	rddreg [dreg:$0x7]  }
0x2a: {  	[tilespmem:s5], [sflag:$0x1] =	stream.linear.gather [hbm4b:s0+s4], $0x1E00, $0x38;
	[tilespmem:$0x17480] =	vst v63  }
0x2b: {  	s31 =	simm.s32 $0x1E80;
	s0 =	simm.s32 $0x0;
	s5 =	simm.s32 $0x200  }
0x2c: {  	[tilespmem:s31], [sflag:$0x2] =	stream.linear.gather [hbm4b:s30+s4], $0x7800, $0x38;
	[tilespmem:$0x17480] =	vst v63  }
.LBB2_2:
0x2d: {  	p0 =	sne.s32 s5, $0x7E00;
	[tilespmem:s0+$0x114F0] =	vst v0  }
0x2e: {  	[tilespmem:s0+$0x11480] =	vst v0  }
0x2f: {  	[tilespmem:s0+$0x11490] =	vst v0  }
.Ltmp2:
0x30: {  	[tilespmem:s0+$0x114A0] =	vst v0;
	(pc) =	sbr.rel @p0 .LBB2_2-.Ltmp2, $4  }
0x31: {  	[tilespmem:s0+$0x114B0] =	vst v0  }
0x32: {  	[tilespmem:s0+$0x114C0] =	vst v0  }
0x33: {  	[tilespmem:s0+$0x114D0] =	vst v0  }
0x34: {  	[tilespmem:s0+$0x114E0] =	vst v0;
	s0 =	sshra.s32 s5, $0x2;
	s5 =	sadd.s32 $0x200, s5  }
0x35: {  	[tilespmem:s0+$0x114F0] =	vst v0  }
0x36: {  	[tilespmem:s0+$0x11480] =	vst v0  }
0x37: {  	[tilespmem:s0+$0x11490] =	vst v0  }
0x38: {  	[tilespmem:s0+$0x114A0] =	vst v0  }
0x39: {  	[tilespmem:s0+$0x114B0] =	vst v0  }
0x3a: {  	[tilespmem:s0+$0x114C0] =	vst v0  }
0x3b: {  	[tilespmem:s0+$0x114D0] =	vst v0  }
0x3c: {  	[tilespmem:s0+$0x114E0] =	vst v0  }
0x3d: {  	[spmem:s7] =	stream.linear.scatter [tilespmem:s17], [sflag:$0x4], $0x2000, $0x38;
	[tilespmem:$0x17480] =	vst v63  }
0x3e: {  	_ =	swait.ge [sflag:s18], $0x2000  }
0x3f: {  	[sflag:s18] =	ssyncset.done $0x0  }
0x40: {  	[sflag:s18] =	ssyncadd.s32 $0xFFFFE000  }
0x41: {  	[spmem:s8] =	stream.linear.scatter [tilespmem:s17], [sflag:$0x4], $0x2000, $0x38;
	[tilespmem:$0x17480] =	vst v63  }
0x42: {  	_ =	swait.ge [sflag:s18], $0x2000  }
0x43: {  	[sflag:s18] =	ssyncset.done $0x0  }
0x44: {  	[sflag:s18] =	ssyncadd.s32 $0xFFFFE000  }
0x45: {  	s30 =	simm.s32 $0x1;
	[bflag:$0x0] =	sbarrier.arrive $0xFFFF  }
0x46: {  	_ =	swait.ge [sflag:s30], $0x1E00  }
0x47: {  	[sflag:s30] =	ssyncset.done $0x0  }
0x48: {  	[sflag:s30] =	ssyncadd.s32 $0xFFFFE200  }
0x49: {  	v5 =	vld [tilespmem:$0x10];
	_ =	sdelay $0x4  }
0x4a: {  	(v2sf) =	vpush v5, $0x0;
	_ =	sdelay $0xe  }
0x4b: {  	s31 =	spop (v2sf)  }
0x4c: {  	s0 =	sadd.s32 $0xFFFFFFFF, s31  }
0x4d: {  	v5 =	vmov s0;
	s0 =	simm.s32 $0x0  }
0x4e: {  	s5 =	simm.s32 $0x10;
	[tilespmem:v1+s0+$0x0] =	vst.idx.msk $0x1, v5  }
0x4f: {  	v5 =	vld [tilespmem:s5+$0xFFFFFFFF]  }
0x50: {  	v6 =	vld [tilespmem:s5+$0x0];
	_ =	sdelay $0x4  }
0x51: {  	vm0 =	vne.s32 v6, v5  }
0x52: {  	v5 =	vsel vm0, $0x1, v2  }
0x53: {  	(xrf0) =	vadd.scan.msk.s32 $0xffff, v5;
	_ =	sdelay $0x4  }
0x54: {  	v5 =	vsel vm0, $0xFFFFFFFF, v2  }
0x55: {  	v5 =	vadd.s32 s0, v5;
	v6, _, _ =	vpop (xrf0)  }
0x56: {  	v5 =	vadd.s32 v6, v5;
	(v2sf) =	vpush v6, $0xF;
	_ =	sdelay $0x3  }
0x57: {  	v7 =	vor.u32 s0, v3  }
0x58: {  	s10 =	smov.u32 s7;
	s7 =	simm.s32 $0x20;
	[tilespmem:v5+s20+$0x0] =	vst.idx.msk vm0, v7  }
0x59: {  	v5 =	vld [tilespmem:s7+$0xFFFFFFFF]  }
0x5a: {  	s8 =	simm.s32 $0x20;
	s5 =	simm.s32 $0x10;
	v6 =	vld [tilespmem:s7+$0x0]  }
.LBB2_4:
0x5b: {  	p0 =	sne.s32 s8, $0x1DF0;
	_ =	sdelay $0x3  }
0x5c: {  	vm0 =	vne.s32 v6, v5  }
0x5d: {  	v5 =	vsel vm0, $0xFFFFFFFF, v2;
	v6 =	vsel vm0, $0x1, v2  }
0x5e: {  	(xrf0) =	vadd.scan.msk.s32 $0xffff, v6  }
0x5f: {  	s9 =	spop (v2sf)  }
0x60: {  	s0 =	sadd.s32 s0, s9  }
0x61: {  	v5 =	vadd.s32 s0, v5;
	_ =	sdelay $0x2  }
0x62: {  	v6, _, _ =	vpop (xrf0)  }
0x63: {  	v5 =	vadd.s32 v6, v5;
	(v2sf) =	vpush v6, $0xF;
	_ =	sdelay $0x2  }
.Ltmp3:
0x64: {  	(pc) =	sbr.rel @p0 .LBB2_4-.Ltmp3, $4  }
0x65: {  	v6 =	vor.u32 s5, v3;
	s5 =	smov.u32 s8  }
0x66: {  	s7 =	sadd.s32 $0x10, s7;
	[tilespmem:v5+s20+$0x0] =	vst.idx.msk vm0, v6  }
0x67: {  	v5 =	vld [tilespmem:s7+$0xFFFFFFFF]  }
0x68: {  	s8 =	sadd.s32 $0x10, s8;
	v6 =	vld [tilespmem:s7+$0x0]  }
0x69: {  	_ =	sdelay $0x3  }
0x6a: {  	vm0 =	vne.s32 v6, v5  }
0x6b: {  	v5 =	vsel vm0, $0x1, v2  }
0x6c: {  	(xrf0) =	vadd.scan.msk.s32 $0xffff, v5;
	_ =	sdelay $0x5  }
0x6d: {  	v5, _, _ =	vpop (xrf0)  }
0x6e: {  	(v2sf) =	vpush v5, $0xF;
	_ =	sdelay $0xc  }
0x6f: {  	s7 =	spop (v2sf)  }
0x70: {  	v6 =	vsel vm0, $0xFFFFFFFF, v2;
	s0 =	sadd.s32 s0, s7  }
0x71: {  	v6 =	vadd.s32 s0, v6;
	s26 =	spop (v2sf)  }
0x72: {  	v5 =	vadd.s32 v5, v6;
	s0 =	sadd.s32 s0, s26  }
0x73: {  	v6 =	vmov s0  }
.Ltmp4:
0x74: {  	_ = 	snop;
	(pc) =	sbr.rel .LBB2_6-.Ltmp4, $4  }
0x75: {  	_ = 	snop  }
0x76: {  	v7 =	vor.u32 s5, v3;
	v9 =	vimm.f32 $0.0e+00;
	s25 =	simm.s32 $0xF0;
	v10 =	vimm.f32 $0.0e+00;
	s15 =	simm.s32 $0x0  }
0x77: {  	s28 =	simm.s32 $0xFFFFFF10;
	s29 =	simm.s32 $0x0;
	v11 =	vimm.f32 $0.0e+00;
	v12 =	vimm.f32 $0.0e+00;
	s30 =	simm.s32 $0x0;
	v8 =	vimm.f32 $0.0e+00;
	[tilespmem:v5+s20+$0x0] =	vst.idx.msk vm0, v7  }
0x78: {  	s31 =	simm.s32 $0x0;
	v5 =	vimm.f32 $0.0e+00;
	v7 =	vimm.f32 $0.0e+00;
	s26 =	simm.s32 $0x1E0;
	s0 =	simm.s32 $0x0;
	[tilespmem:v6+s20+$0x0] =	vst.idx.msk $0x1, v4;
	v6 =	vimm.f32 $0.0e+00  }
.LBB2_24:
0x79: {  	s0 =	sadd.s32 $0x1, s0  }
0x7a: {  	p0 =	sne.s32 s0, $0x10  }
.Ltmp5:
0x7b: {  	_ = 	snop;
	(pc) =	sbr.rel @!p0 .LBB2_25-.Ltmp5, $3  }
0x7c: {  	_ =	sdelay $0x1  }
0x7d: {  	s25 =	sadd.s32 $0x1E0, s25;
	s26 =	sadd.s32 $0x1E0, s26  }
0x7e: {  	s30 =	sadd.s32 $0xFFFFFE20, s30;
	s29 =	sadd.s32 $0xFFFC4000, s29;
	s28 =	sadd.s32 $0xFFFFFE20, s28  }
.LBB2_6:
0x7f: {  	s5 =	smul.u32 $0x1E0, s0;
	_ =	sdelay $0x1  }
0x80: {  	s16 =	sadd.s32 $0xF0, s5  }
0x81: {  	p0 =	sge.s32 s15, s16  }
.Ltmp6:
0x82: {  	_ = 	snop;
	(pc) =	sbr.rel @!p0 .LBB2_7-.Ltmp6, $4  }
0x83: {  	_ =	swait.ge [sflag:s21], $0x7800;
	s7 =	sadd.s32 s6, s16  }
0x84: {  	[sflag:s21] =	ssyncset.done $0x0;
	s7 =	sshll.u32 s7, $0x4  }
0x85: {  	[sflag:s21] =	ssyncadd.s32 $0xFFFF8800;
	s7 =	sadd.s32 s1, s7  }
0x86: {  	[tilespmem:s22], [sflag:$0x3] =	stream.linear.gather [hbm4b:s7+s4], $0x7800, $0x38;
	[tilespmem:$0x17480] =	vst v63  }
.LBB2_15:
0x87: {  	p0 =	seq.s32 s0, $0xF  }
0x88: {  	_ =	swait.ge [sflag:s23], $0x7800;
	s13 =	sadd.s32 $0x1E0, s5;
	s7 =	sadd.s32 @!p0 s5, s11  }
0x89: {  	[sflag:s23] =	ssyncset.done $0x0;
	s8 =	simm.s32 @!p0 $0x0;
	s7 =	sshll.u32 @!p0 s7, $0x4  }
0x8a: {  	s9 =	simm.s32 @!p0 $0x1E80;
	[sflag:s23] =	ssyncadd.s32 $0xFFFF8800;
	s7 =	sadd.s32 @!p0 s1, s7  }
0x8b: {  	[tilespmem:s9], [sflag:$0x2] =	stream.linear.gather @!p0 [hbm4b:s7+s8], $0x7800, $0x38;
	[tilespmem:$0x17480] =	vst v63  }
0x8c: {  	p0 =	sge.s32 s15, s13  }
.Ltmp7:
0x8d: {  	_ = 	snop;
	(pc) =	sbr.rel @p0 .LBB2_24-.Ltmp7, $4  }
.Ltmp8:
0x8e: {  	_ = 	snop;
	(pc) =	sbr.rel @!p0 .LBB2_16-.Ltmp8, $4  }
0x8f: {  	_ = 	snop  }
0x90: {  	_ = 	snop  }
0x91: {  	_ = 	snop  }
0x92: {  	_ = 	snop  }
.LBB2_14:
0x93: {  	p1 =	sgt.s32 s7, s16  }
0x94: {  	[tilespmem:$0x11300] =	vst @!p1 v8  }
0x95: {  	[tilespmem:$0x11310] =	vst @!p1 v7  }
0x96: {  	[tilespmem:$0x11320] =	vst @!p1 v6  }
0x97: {  	[tilespmem:$0x11330] =	vst @!p1 v5  }
0x98: {  	[tilespmem:$0x11340] =	vst @!p1 v12;
	s9 =	ssub.s32 @!p1 s7, s8  }
0x99: {  	[tilespmem:$0x11350] =	vst @!p1 v11;
	s9 =	scvt.s32.f32 @!p1 s9  }
0x9a: {  	[tilespmem:$0x11360] =	vst @!p1 v10  }
0x9b: {  	[tilespmem:$0x11370] =	vst @!p1 v9;
	v13 =	vmov @!p1 s9  }
0x9c: {  	[tilespmem:$0x11380] =	vst @!p1 v13  }
0x9d: {  	[tilespmem:$0x11390] =	vst @!p1 v13  }
0x9e: {  	[tilespmem:$0x113A0] =	vst @!p1 v13  }
0x9f: {  	[tilespmem:$0x113B0] =	vst @!p1 v13  }
0xa0: {  	[tilespmem:$0x113C0] =	vst @!p1 v13  }
0xa1: {  	[tilespmem:$0x113D0] =	vst @!p1 v13  }
0xa2: {  	[tilespmem:$0x113E0] =	vst @!p1 v13  }
0xa3: {  	[tilespmem:$0x113F0] =	vst @!p1 v13  }
0xa4: {  	v14 =	vimm.s32 @!p1 $0x0;
	v13 =	vld.msk @!p1 [tilespmem:s8+$0x10 ss:$0x0], $0xffff;
	_ =	sdelay $0x3  }
0xa5: {  	s8 =	simm.s32 @!p1 $0x11400  }
0xa6: {  	s12 =	simm.s32 @!p1 $0x11300;
	s9 =	simm.s32 @!p1 $0x1;
	[tilespmem:v14+s8+$0x0] =	vst.idx.msk @!p1 $0x1, v13  }
0xa7: {  	[spmem:s2] =	stream.indirect.scatter.add.f32 @!p1 [tilespmem:s12], [sflag:$0x4], $0x80, s8, s9, $0xb8;
	[tilespmem:$0x17480] =	vst v63  }
0xa8: {  	s12 =	simm.s32 @!p1 $0x4  }
0xa9: {  	_ =	swait.ge @!p1 [sflag:s12], $0x80  }
0xaa: {  	p2 =	sle.s32 s7, s16;
	[sflag:s12] =	ssyncset.done @!p1 $0x0  }
.Ltmp9:
0xab: {  	s7 =	simm.s32 @!p1 $0x11380;
	[sflag:s12] =	ssyncadd.s32 @!p1 $0xFFFFFF80;
	(pc) =	sbr.rel @!p0 .LBB2_15-.Ltmp9, $4  }
0xac: {  	[spmem:s3] =	stream.indirect.scatter.add.f32 @!p1 [tilespmem:s7], [sflag:$0x4], $0x80, s8, s9, $0xb8;
	[tilespmem:$0x17480] =	vst v63  }
0xad: {  	v8 =	vpsel p2, $0x0, v8;
	v7 =	vpsel p2, $0x0, v7;
	s7 =	simm.s32 $0x1;
	_ =	swait.ge @!p1 [sflag:s12], $0x80  }
0xae: {  	v6 =	vpsel p2, $0x0, v6;
	v5 =	vpsel p2, $0x0, v5;
	v12 =	vpsel p2, $0x0, v12;
	s7 =	simm.s32 @!p2 $0x0;
	[sflag:s12] =	ssyncset.done @!p1 $0x0  }
0xaf: {  	s15 =	smov.u32 s13;
	v11 =	vpsel p2, $0x0, v11;
	v10 =	vpsel p2, $0x0, v10;
	v9 =	vpsel p2, $0x0, v9;
	s31 =	sadd.s32 s7, s31;
	[sflag:s12] =	ssyncadd.s32 @!p1 $0xFFFFFF80  }
.LBB2_7:
0xb0: {  	v13 =	vld [tilespmem:s31+$0x10E80];
	_ =	sdelay $0x4  }
0xb1: {  	(v2sf) =	vpush v13, $0x0  }
0xb2: {  	(v2sf) =	vpush v13, $0x1;
	_ =	sdelay $0xd  }
0xb3: {  	s8 =	spop (v2sf)  }
0xb4: {  	s7 =	spop (v2sf)  }
0xb5: {  	s13 =	smov.u32 s16;
	p0 =	slt.s32 s7, s16  }
0xb6: {  	s13 =	smov.u32 @p0 s7  }
0xb7: {  	s12 =	ssub.s32 s13, s15  }
0xb8: {  	s9 =	sshra.s32 s12, $0x1F  }
0xb9: {  	s9 =	sshrl.u32 s9, $0x1E  }
0xba: {  	s9 =	sadd.s32 s9, s12  }
0xbb: {  	s14 =	sand.u32 $0xFFFFFFFC, s9  }
0xbc: {  	s19 =	sadd.s32 s15, s14  }
0xbd: {  	p1 =	sge.s32 s15, s19  }
.Ltmp10:
0xbe: {  	_ = 	snop;
	(pc) =	sbr.rel @p1 .LBB2_11-.Ltmp10, $1  }
0xbf: {  	_ =	sdelay $0x3  }
0xc0: {  	s9 =	sadd.s32 s15, s30  }
0xc1: {  	s9 =	sshll.u32 s9, $0x9  }
0xc2: {  	s9 =	sshra.s32 s9, $0x2  }
0xc3: {  	s9 =	sadd.s32 $0x1F80, s9  }
0xc4: {  	v18 =	vld [tilespmem:s9+$0x80]  }
0xc5: {  	v20 =	vld [tilespmem:s9+$0x90]  }
0xc6: {  	v21 =	vld [tilespmem:s9+$0xA0]  }
0xc7: {  	v22 =	vld [tilespmem:s9+$0xB0]  }
0xc8: {  	v13 =	vld [tilespmem:s9+$0xC0]  }
0xc9: {  	v14 =	vld [tilespmem:s9+$0xD0]  }
0xca: {  	v17 =	vld [tilespmem:s9+$0x0]  }
0xcb: {  	v19 =	vld [tilespmem:s9+$0x10]  }
0xcc: {  	v23 =	vld [tilespmem:s9+$0x20]  }
0xcd: {  	v24 =	vld [tilespmem:s9+$0x30]  }
0xce: {  	v15 =	vld [tilespmem:s9+$0x40]  }
0xcf: {  	v16 =	vld [tilespmem:s9+$0x50]  }
0xd0: {  	v25 =	vld [tilespmem:s9+$0xFFFFFF80]  }
0xd1: {  	v26 =	vld [tilespmem:s9+$0xFFFFFF90]  }
0xd2: {  	v27 =	vld [tilespmem:s9+$0xFFFFFF00]  }
0xd3: {  	v28 =	vld [tilespmem:s9+$0xFFFFFF10]  }
0xd4: {  	v29 =	vld [tilespmem:s9+$0xFFFFFF20]  }
0xd5: {  	v30 =	vld [tilespmem:s9+$0xFFFFFF30]  }
0xd6: {  	v62 =	vld [tilespmem:s9+$0xFFFFFF60]  }
0xd7: {  	v32 =	vld [tilespmem:s9+$0xFFFFFFB0]  }
0xd8: {  	v31 =	vld [tilespmem:s9+$0xFFFFFFA0]  }
0xd9: {  	v33 =	vld [tilespmem:s9+$0xFFFFFFC0];
	v8 =	vadd.f32 v27, v8;
	v7 =	vadd.f32 v28, v7  }
0xda: {  	v59 =	vld [tilespmem:s9+$0xFFFFFFD0];
	v6 =	vadd.f32 v29, v6;
	v5 =	vadd.f32 v30, v5  }
0xdb: {  	v60 =	vld [tilespmem:s9+$0xFFFFFF40];
	v10 =	vadd.f32 v62, v10;
	v8 =	vadd.f32 v25, v8  }
0xdc: {  	v61 =	vld [tilespmem:s9+$0xFFFFFF50];
	v7 =	vadd.f32 v26, v7;
	v5 =	vadd.f32 v32, v5  }
0xdd: {  	s15 =	sadd.s32 $0x4, s15;
	v63 =	vld [tilespmem:s9+$0xFFFFFF70];
	v6 =	vadd.f32 v31, v6;
	v8 =	vadd.f32 v17, v8  }
0xde: {  	p1 =	slt.s32 s15, s19;
	v7 =	vadd.f32 v19, v7;
	v17 =	vld [tilespmem:s9+$0xFFFFFFE0];
	v5 =	vadd.f32 v24, v5  }
.Ltmp11:
0xdf: {  	v6 =	vadd.f32 v23, v6;
	v19 =	vld [tilespmem:s9+$0xFFFFFFF0];
	v8 =	vadd.f32 v18, v8;
	(pc) =	sbr.rel @!p1 .LBB2_10-.Ltmp11, $4  }
0xe0: {  	v7 =	vadd.f32 v20, v7;
	v18 =	vld [tilespmem:s9+$0x60];
	v5 =	vadd.f32 v22, v5  }
0xe1: {  	v20 =	vadd.f32 v60, v12;
	v22 =	vadd.f32 v61, v11;
	v11 =	vld [tilespmem:s9+$0x70]  }
0xe2: {  	v6 =	vadd.f32 v21, v6;
	v12 =	vadd.f32 v63, v9;
	v9 =	vld [tilespmem:s9+$0xE0]  }
0xe3: {  	v21 =	vadd.f32 v33, v20;
	v22 =	vadd.f32 v59, v22;
	v20 =	vld [tilespmem:s9+$0xF0];
	s9 =	sadd.s32 $0x200, s9  }
.LBB2_9:
0xe4: {  	v23 =	vld [tilespmem:s9+$0x80];
	v10 =	vadd.f32 v17, v10;
	v12 =	vadd.f32 v19, v12  }
0xe5: {  	v24 =	vld [tilespmem:s9+$0x90];
	v15 =	vadd.f32 v15, v21;
	v16 =	vadd.f32 v16, v22  }
0xe6: {  	v21 =	vld [tilespmem:s9+$0xA0];
	v10 =	vadd.f32 v18, v10;
	v11 =	vadd.f32 v11, v12  }
0xe7: {  	v12 =	vld [tilespmem:s9+$0xB0];
	v22 =	vadd.f32 v13, v15;
	v25 =	vadd.f32 v14, v16  }
0xe8: {  	v13 =	vld [tilespmem:s9+$0xC0];
	v9 =	vadd.f32 v9, v10;
	v20 =	vadd.f32 v20, v11  }
0xe9: {  	v14 =	vld [tilespmem:s9+$0xD0]  }
0xea: {  	v10 =	vld [tilespmem:s9+$0x0]  }
0xeb: {  	v11 =	vld [tilespmem:s9+$0x10]  }
0xec: {  	v18 =	vld [tilespmem:s9+$0x20]  }
0xed: {  	v19 =	vld [tilespmem:s9+$0x30]  }
0xee: {  	v15 =	vld [tilespmem:s9+$0x40]  }
0xef: {  	v16 =	vld [tilespmem:s9+$0x50]  }
0xf0: {  	v17 =	vld [tilespmem:s9+$0xFFFFFF80]  }
0xf1: {  	v26 =	vld [tilespmem:s9+$0xFFFFFF90]  }
0xf2: {  	v27 =	vld [tilespmem:s9+$0xFFFFFF00]  }
0xf3: {  	v28 =	vld [tilespmem:s9+$0xFFFFFF10]  }
0xf4: {  	v29 =	vld [tilespmem:s9+$0xFFFFFF20]  }
0xf5: {  	v30 =	vld [tilespmem:s9+$0xFFFFFF30]  }
0xf6: {  	v31 =	vld [tilespmem:s9+$0xFFFFFFA0]  }
0xf7: {  	v32 =	vld [tilespmem:s9+$0xFFFFFFB0]  }
0xf8: {  	v33 =	vld [tilespmem:s9+$0xFFFFFFC0]  }
0xf9: {  	v8 =	vadd.f32 v27, v8;
	v7 =	vadd.f32 v28, v7;
	v27 =	vld [tilespmem:s9+$0xFFFFFFD0]  }
0xfa: {  	v6 =	vadd.f32 v29, v6;
	v5 =	vadd.f32 v30, v5;
	v28 =	vld [tilespmem:s9+$0xFFFFFF40]  }
0xfb: {  	v8 =	vadd.f32 v17, v8;
	v7 =	vadd.f32 v26, v7;
	v29 =	vld [tilespmem:s9+$0xFFFFFF50]  }
0xfc: {  	v6 =	vadd.f32 v31, v6;
	v26 =	vld [tilespmem:s9+$0xFFFFFF60];
	v5 =	vadd.f32 v32, v5  }
0xfd: {  	s15 =	sadd.s32 $0x4, s15;
	v8 =	vadd.f32 v10, v8;
	v7 =	vadd.f32 v11, v7;
	v30 =	vld [tilespmem:s9+$0xFFFFFF70]  }
0xfe: {  	p1 =	slt.s32 s15, s19;
	v6 =	vadd.f32 v18, v6;
	v17 =	vld [tilespmem:s9+$0xFFFFFFE0];
	v5 =	vadd.f32 v19, v5  }
.Ltmp12:
0xff: {  	v8 =	vadd.f32 v23, v8;
	v7 =	vadd.f32 v24, v7;
	v19 =	vld [tilespmem:s9+$0xFFFFFFF0];
	(pc) =	sbr.rel @p1 .LBB2_9-.Ltmp12, $4  }
0x100: {  	v6 =	vadd.f32 v21, v6;
	v18 =	vld [tilespmem:s9+$0x60];
	v5 =	vadd.f32 v12, v5  }
0x101: {  	v21 =	vadd.f32 v28, v22;
	v22 =	vadd.f32 v29, v25;
	v11 =	vld [tilespmem:s9+$0x70]  }
0x102: {  	v10 =	vadd.f32 v26, v9;
	v12 =	vadd.f32 v30, v20;
	v9 =	vld [tilespmem:s9+$0xE0]  }
0x103: {  	v21 =	vadd.f32 v33, v21;
	v22 =	vadd.f32 v27, v22;
	v20 =	vld [tilespmem:s9+$0xF0];
	s9 =	sadd.s32 $0x200, s9  }
.LBB2_10:
0x104: {  	v10 =	vadd.f32 v17, v10;
	v12 =	vadd.f32 v19, v12  }
0x105: {  	v15 =	vadd.f32 v15, v21;
	v16 =	vadd.f32 v16, v22  }
0x106: {  	v10 =	vadd.f32 v18, v10;
	v63 =	vadd.f32 v11, v12  }
0x107: {  	v12 =	vadd.f32 v13, v15;
	v11 =	vadd.f32 v14, v16  }
0x108: {  	v10 =	vadd.f32 v9, v10;
	v9 =	vadd.f32 v20, v63  }
.LBB2_11:
0x109: {  	p1 =	sge.s32 s19, s13  }
.Ltmp13:
0x10a: {  	_ = 	snop;
	(pc) =	sbr.rel @p1 .LBB2_14-.Ltmp13, $1  }
0x10b: {  	_ =	sdelay $0x3  }
0x10c: {  	p1 =	slt.s32 s7, s25;
	s15 =	smov.u32 s25  }
0x10d: {  	s15 =	smov.u32 @p1 s7  }
0x10e: {  	s9 =	ssub.s32 s12, s14;
	s19 =	sadd.s32 s15, s30  }
0x10f: {  	s12 =	ssub.s32 s19, s9  }
0x110: {  	s12 =	sshll.u32 s12, $0x9  }
0x111: {  	s12 =	sshra.s32 s12, $0x2  }
0x112: {  	s12 =	sadd.s32 $0x1EC0, s12  }
.LBB2_13:
0x113: {  	v13 =	vld [tilespmem:s12+$0xFFFFFFC0]  }
0x114: {  	v14 =	vld [tilespmem:s12+$0xFFFFFFD0]  }
0x115: {  	v15 =	vld [tilespmem:s12+$0xFFFFFFE0]  }
0x116: {  	v16 =	vld [tilespmem:s12+$0xFFFFFFF0]  }
0x117: {  	v17 =	vld [tilespmem:s12+$0x0]  }
0x118: {  	v18 =	vld [tilespmem:s12+$0x10]  }
0x119: {  	v19 =	vld [tilespmem:s12+$0x20]  }
0x11a: {  	v20 =	vld [tilespmem:s12+$0x30];
	p1 =	sne.s32 s9, $0x1  }
.Ltmp14:
0x11b: {  	_ = 	snop;
	(pc) =	sbr.rel @p1 .LBB2_13-.Ltmp14, $4  }
0x11c: {  	v8 =	vadd.f32 v13, v8;
	v7 =	vadd.f32 v14, v7  }
0x11d: {  	v6 =	vadd.f32 v15, v6;
	v5 =	vadd.f32 v16, v5  }
0x11e: {  	v12 =	vadd.f32 v17, v12;
	v11 =	vadd.f32 v18, v11  }
0x11f: {  	s12 =	sadd.s32 $0x80, s12;
	s9 =	sadd.s32 $0xFFFFFFFF, s9;
	v10 =	vadd.f32 v19, v10;
	v9 =	vadd.f32 v20, v9  }
.Ltmp15:
0x120: {  	_ = 	snop;
	(pc) =	sbr.rel .LBB2_14-.Ltmp15, $1  }
0x121: {  	_ =	sdelay $0x3  }
.LBB2_23:
0x122: {  	p1 =	sgt.s32 s16, s13  }
0x123: {  	[tilespmem:$0x11300] =	vst @!p1 v8  }
0x124: {  	[tilespmem:$0x11310] =	vst @!p1 v7  }
0x125: {  	[tilespmem:$0x11320] =	vst @!p1 v6  }
0x126: {  	[tilespmem:$0x11330] =	vst @!p1 v5  }
0x127: {  	[tilespmem:$0x11340] =	vst @!p1 v12;
	s8 =	ssub.s32 @!p1 s16, s7  }
0x128: {  	[tilespmem:$0x11350] =	vst @!p1 v11;
	s8 =	scvt.s32.f32 @!p1 s8  }
0x129: {  	[tilespmem:$0x11360] =	vst @!p1 v10  }
0x12a: {  	[tilespmem:$0x11370] =	vst @!p1 v9;
	v13 =	vmov @!p1 s8  }
0x12b: {  	[tilespmem:$0x11380] =	vst @!p1 v13  }
0x12c: {  	[tilespmem:$0x11390] =	vst @!p1 v13  }
0x12d: {  	[tilespmem:$0x113A0] =	vst @!p1 v13  }
0x12e: {  	[tilespmem:$0x113B0] =	vst @!p1 v13  }
0x12f: {  	[tilespmem:$0x113C0] =	vst @!p1 v13  }
0x130: {  	[tilespmem:$0x113D0] =	vst @!p1 v13  }
0x131: {  	[tilespmem:$0x113E0] =	vst @!p1 v13  }
0x132: {  	[tilespmem:$0x113F0] =	vst @!p1 v13  }
0x133: {  	v14 =	vimm.s32 @!p1 $0x0;
	v13 =	vld.msk @!p1 [tilespmem:s7+$0x10 ss:$0x0], $0xffff;
	_ =	sdelay $0x3  }
0x134: {  	s7 =	simm.s32 @!p1 $0x11400  }
0x135: {  	s9 =	simm.s32 @!p1 $0x11300;
	s8 =	simm.s32 @!p1 $0x1;
	[tilespmem:v14+s7+$0x0] =	vst.idx.msk @!p1 $0x1, v13  }
0x136: {  	[spmem:s2] =	stream.indirect.scatter.add.f32 @!p1 [tilespmem:s9], [sflag:$0x4], $0x80, s7, s8, $0xb8;
	[tilespmem:$0x17480] =	vst v63  }
0x137: {  	s9 =	simm.s32 @!p1 $0x4  }
0x138: {  	_ =	swait.ge @!p1 [sflag:s9], $0x80  }
0x139: {  	p2 =	sle.s32 s16, s13;
	[sflag:s9] =	ssyncset.done @!p1 $0x0  }
.Ltmp16:
0x13a: {  	s12 =	simm.s32 @!p1 $0x11380;
	[sflag:s9] =	ssyncadd.s32 @!p1 $0xFFFFFF80;
	(pc) =	sbr.rel @!p0 .LBB2_24-.Ltmp16, $4  }
0x13b: {  	[spmem:s3] =	stream.indirect.scatter.add.f32 @!p1 [tilespmem:s12], [sflag:$0x4], $0x80, s7, s8, $0xb8;
	[tilespmem:$0x17480] =	vst v63  }
0x13c: {  	v8 =	vpsel p2, $0x0, v8;
	v7 =	vpsel p2, $0x0, v7;
	s7 =	simm.s32 $0x1;
	_ =	swait.ge @!p1 [sflag:s9], $0x80  }
0x13d: {  	v6 =	vpsel p2, $0x0, v6;
	v5 =	vpsel p2, $0x0, v5;
	v12 =	vpsel p2, $0x0, v12;
	s7 =	simm.s32 @!p2 $0x0;
	[sflag:s9] =	ssyncset.done @!p1 $0x0  }
0x13e: {  	s15 =	smov.u32 s5;
	v11 =	vpsel p2, $0x0, v11;
	v10 =	vpsel p2, $0x0, v10;
	v9 =	vpsel p2, $0x0, v9;
	s31 =	sadd.s32 s7, s31;
	[sflag:s9] =	ssyncadd.s32 @!p1 $0xFFFFFF80  }
.LBB2_16:
0x13f: {  	v13 =	vld [tilespmem:s31+$0x10E80];
	_ =	sdelay $0x4  }
0x140: {  	(v2sf) =	vpush v13, $0x0  }
0x141: {  	(v2sf) =	vpush v13, $0x1;
	_ =	sdelay $0xd  }
0x142: {  	s7 =	spop (v2sf)  }
0x143: {  	s16 =	spop (v2sf)  }
0x144: {  	s5 =	smov.u32 s13;
	p0 =	slt.s32 s16, s13  }
0x145: {  	s5 =	smov.u32 @p0 s16  }
0x146: {  	s8 =	ssub.s32 s5, s15  }
0x147: {  	s9 =	sshra.s32 s8, $0x1F  }
0x148: {  	s9 =	sshrl.u32 s9, $0x1E  }
0x149: {  	s9 =	sadd.s32 s9, s8  }
0x14a: {  	s12 =	sand.u32 $0xFFFFFFFC, s9  }
0x14b: {  	s14 =	sadd.s32 s15, s12  }
0x14c: {  	p1 =	sge.s32 s15, s14  }
.Ltmp17:
0x14d: {  	_ = 	snop;
	(pc) =	sbr.rel @p1 .LBB2_20-.Ltmp17, $1  }
0x14e: {  	_ =	sdelay $0x3  }
0x14f: {  	s9 =	sshll.u32 s15, $0x9  }
0x150: {  	s9 =	sadd.s32 s9, s29  }
0x151: {  	s19 =	sshra.s32 s9, $0x2  }
0x152: {  	v15 =	vmov s19;
	_ =	sdelay $0x3  }
0x153: {  	s9 =	simm.s32 $0x1F00  }
0x154: {  	v23 =	vld.idx.msk [tilespmem:v15+s9+$0x100 ss:$0x1], $0xffff  }
0x155: {  	v24 =	vld.idx.msk [tilespmem:v15+s9+$0x110 ss:$0x1], $0xffff  }
0x156: {  	v25 =	vld.idx.msk [tilespmem:v15+s9+$0x120 ss:$0x1], $0xffff  }
0x157: {  	v26 =	vld.idx.msk [tilespmem:v15+s9+$0x130 ss:$0x1], $0xffff  }
0x158: {  	v13 =	vld.idx.msk [tilespmem:v15+s9+$0x140 ss:$0x1], $0xffff  }
0x159: {  	v14 =	vld.idx.msk [tilespmem:v15+s9+$0x150 ss:$0x1], $0xffff  }
0x15a: {  	v21 =	vld.idx.msk [tilespmem:v15+s9+$0x80 ss:$0x1], $0xffff  }
0x15b: {  	v22 =	vld.idx.msk [tilespmem:v15+s9+$0x90 ss:$0x1], $0xffff  }
0x15c: {  	v27 =	vld.idx.msk [tilespmem:v15+s9+$0xA0 ss:$0x1], $0xffff  }
0x15d: {  	v28 =	vld.idx.msk [tilespmem:v15+s9+$0xB0 ss:$0x1], $0xffff  }
0x15e: {  	v16 =	vld.idx.msk [tilespmem:v15+s9+$0xC0 ss:$0x1], $0xffff  }
0x15f: {  	v17 =	vld.idx.msk [tilespmem:v15+s9+$0xD0 ss:$0x1], $0xffff  }
0x160: {  	v20 =	vld.idx.msk [tilespmem:v15+s9+$0x0 ss:$0x1], $0xffff  }
0x161: {  	v29 =	vld.idx.msk [tilespmem:v15+s9+$0x10 ss:$0x1], $0xffff  }
0x162: {  	v30 =	vld.idx.msk [tilespmem:v15+s9+$0xFFFFFF80 ss:$0x1], $0xffff  }
0x163: {  	v31 =	vld.idx.msk [tilespmem:v15+s9+$0xFFFFFF90 ss:$0x1], $0xffff  }
0x164: {  	v32 =	vld.idx.msk [tilespmem:v15+s9+$0xFFFFFFA0 ss:$0x1], $0xffff  }
0x165: {  	v33 =	vld.idx.msk [tilespmem:v15+s9+$0xFFFFFFB0 ss:$0x1], $0xffff  }
0x166: {  	v60 =	vld.idx.msk [tilespmem:v15+s9+$0xFFFFFFC0 ss:$0x1], $0xffff  }
0x167: {  	v61 =	vld.idx.msk [tilespmem:v15+s9+$0xFFFFFFD0 ss:$0x1], $0xffff  }
0x168: {  	v34 =	vld.idx.msk [tilespmem:v15+s9+$0x20 ss:$0x1], $0xffff  }
0x169: {  	v35 =	vld.idx.msk [tilespmem:v15+s9+$0x30 ss:$0x1], $0xffff  }
0x16a: {  	v18 =	vld.idx.msk [tilespmem:v15+s9+$0x40 ss:$0x1], $0xffff;
	v8 =	vadd.f32 v30, v8;
	v7 =	vadd.f32 v31, v7  }
0x16b: {  	v62 =	vld.idx.msk [tilespmem:v15+s9+$0xFFFFFFE0 ss:$0x1], $0xffff;
	v6 =	vadd.f32 v32, v6;
	v5 =	vadd.f32 v33, v5  }
0x16c: {  	v19 =	vld.idx.msk [tilespmem:v15+s9+$0x50 ss:$0x1], $0xffff;
	v12 =	vadd.f32 v60, v12;
	v11 =	vadd.f32 v61, v11  }
0x16d: {  	s15 =	sadd.s32 $0x4, s15;
	v63 =	vld.idx.msk [tilespmem:v15+s9+$0xFFFFFFF0 ss:$0x1], $0xffff;
	v8 =	vadd.f32 v20, v8;
	v7 =	vadd.f32 v29, v7  }
0x16e: {  	p1 =	slt.s32 s15, s14;
	v6 =	vadd.f32 v34, v6;
	v5 =	vadd.f32 v35, v5;
	v20 =	vld.idx.msk [tilespmem:v15+s9+$0x60 ss:$0x1], $0xffff  }
.Ltmp18:
0x16f: {  	v8 =	vadd.f32 v21, v8;
	v7 =	vadd.f32 v22, v7;
	v22 =	vld.idx.msk [tilespmem:v15+s9+$0x70 ss:$0x1], $0xffff;
	(pc) =	sbr.rel @!p1 .LBB2_19-.Ltmp18, $4  }
0x170: {  	v10 =	vadd.f32 v62, v10;
	v6 =	vadd.f32 v27, v6;
	v21 =	vld.idx.msk [tilespmem:v15+s9+$0xE0 ss:$0x1], $0xffff  }
0x171: {  	v5 =	vadd.f32 v28, v5;
	v8 =	vadd.f32 v23, v8;
	v23 =	vld.idx.msk [tilespmem:v15+s9+$0xF0 ss:$0x1], $0xffff  }
0x172: {  	v7 =	vadd.f32 v24, v7;
	v6 =	vadd.f32 v25, v6;
	v24 =	vld.idx.msk [tilespmem:v15+s9+$0x160 ss:$0x1], $0xffff  }
0x173: {  	v5 =	vadd.f32 v26, v5;
	v25 =	vadd.f32 v63, v9;
	v9 =	vld.idx.msk [tilespmem:v15+s9+$0x170 ss:$0x1], $0xffff;
	s9 =	simm.s32 $0x2100  }
.LBB2_18:
0x174: {  	v26 =	vld.idx.msk [tilespmem:v15+s9+$0x100 ss:$0x1], $0xffff;
	v12 =	vadd.f32 v18, v12;
	v11 =	vadd.f32 v19, v11  }
0x175: {  	v27 =	vld.idx.msk [tilespmem:v15+s9+$0x110 ss:$0x1], $0xffff;
	v10 =	vadd.f32 v20, v10;
	v18 =	vadd.f32 v22, v25  }
0x176: {  	v25 =	vld.idx.msk [tilespmem:v15+s9+$0x120 ss:$0x1], $0xffff;
	v12 =	vadd.f32 v16, v12;
	v11 =	vadd.f32 v17, v11  }
0x177: {  	v28 =	vld.idx.msk [tilespmem:v15+s9+$0x130 ss:$0x1], $0xffff;
	v10 =	vadd.f32 v21, v10;
	v16 =	vadd.f32 v23, v18  }
0x178: {  	v12 =	vadd.f32 v13, v12;
	v13 =	vld.idx.msk [tilespmem:v15+s9+$0x140 ss:$0x1], $0xffff;
	v11 =	vadd.f32 v14, v11  }
0x179: {  	v14 =	vld.idx.msk [tilespmem:v15+s9+$0x150 ss:$0x1], $0xffff;
	v10 =	vadd.f32 v24, v10;
	v9 =	vadd.f32 v9, v16  }
0x17a: {  	v21 =	vld.idx.msk [tilespmem:v15+s9+$0x80 ss:$0x1], $0xffff  }
0x17b: {  	v22 =	vld.idx.msk [tilespmem:v15+s9+$0x90 ss:$0x1], $0xffff  }
0x17c: {  	v23 =	vld.idx.msk [tilespmem:v15+s9+$0xA0 ss:$0x1], $0xffff  }
0x17d: {  	v24 =	vld.idx.msk [tilespmem:v15+s9+$0xB0 ss:$0x1], $0xffff  }
0x17e: {  	v16 =	vld.idx.msk [tilespmem:v15+s9+$0xC0 ss:$0x1], $0xffff  }
0x17f: {  	v17 =	vld.idx.msk [tilespmem:v15+s9+$0xD0 ss:$0x1], $0xffff  }
0x180: {  	v20 =	vld.idx.msk [tilespmem:v15+s9+$0x0 ss:$0x1], $0xffff  }
0x181: {  	v29 =	vld.idx.msk [tilespmem:v15+s9+$0x10 ss:$0x1], $0xffff  }
0x182: {  	v30 =	vld.idx.msk [tilespmem:v15+s9+$0xFFFFFF80 ss:$0x1], $0xffff  }
0x183: {  	v31 =	vld.idx.msk [tilespmem:v15+s9+$0xFFFFFF90 ss:$0x1], $0xffff  }
0x184: {  	v32 =	vld.idx.msk [tilespmem:v15+s9+$0xFFFFFFA0 ss:$0x1], $0xffff  }
0x185: {  	v33 =	vld.idx.msk [tilespmem:v15+s9+$0xFFFFFFB0 ss:$0x1], $0xffff  }
0x186: {  	v34 =	vld.idx.msk [tilespmem:v15+s9+$0x20 ss:$0x1], $0xffff  }
0x187: {  	v35 =	vld.idx.msk [tilespmem:v15+s9+$0x30 ss:$0x1], $0xffff  }
0x188: {  	v18 =	vld.idx.msk [tilespmem:v15+s9+$0x40 ss:$0x1], $0xffff  }
0x189: {  	v19 =	vld.idx.msk [tilespmem:v15+s9+$0x50 ss:$0x1], $0xffff  }
0x18a: {  	v8 =	vadd.f32 v30, v8;
	v7 =	vadd.f32 v31, v7;
	v30 =	vld.idx.msk [tilespmem:v15+s9+$0xFFFFFFC0 ss:$0x1], $0xffff  }
0x18b: {  	v6 =	vadd.f32 v32, v6;
	v5 =	vadd.f32 v33, v5;
	v31 =	vld.idx.msk [tilespmem:v15+s9+$0xFFFFFFD0 ss:$0x1], $0xffff  }
0x18c: {  	v8 =	vadd.f32 v20, v8;
	v7 =	vadd.f32 v29, v7;
	v32 =	vld.idx.msk [tilespmem:v15+s9+$0xFFFFFFE0 ss:$0x1], $0xffff  }
0x18d: {  	s15 =	sadd.s32 $0x4, s15;
	v6 =	vadd.f32 v34, v6;
	v5 =	vadd.f32 v35, v5;
	v29 =	vld.idx.msk [tilespmem:v15+s9+$0xFFFFFFF0 ss:$0x1], $0xffff  }
0x18e: {  	p1 =	slt.s32 s15, s14;
	v8 =	vadd.f32 v21, v8;
	v7 =	vadd.f32 v22, v7;
	v20 =	vld.idx.msk [tilespmem:v15+s9+$0x60 ss:$0x1], $0xffff  }
.Ltmp19:
0x18f: {  	v6 =	vadd.f32 v23, v6;
	v5 =	vadd.f32 v24, v5;
	v22 =	vld.idx.msk [tilespmem:v15+s9+$0x70 ss:$0x1], $0xffff;
	(pc) =	sbr.rel @p1 .LBB2_18-.Ltmp19, $4  }
0x190: {  	v8 =	vadd.f32 v26, v8;
	v7 =	vadd.f32 v27, v7;
	v21 =	vld.idx.msk [tilespmem:v15+s9+$0xE0 ss:$0x1], $0xffff  }
0x191: {  	v6 =	vadd.f32 v25, v6;
	v5 =	vadd.f32 v28, v5;
	v23 =	vld.idx.msk [tilespmem:v15+s9+$0xF0 ss:$0x1], $0xffff  }
0x192: {  	v12 =	vadd.f32 v30, v12;
	v11 =	vadd.f32 v31, v11;
	v24 =	vld.idx.msk [tilespmem:v15+s9+$0x160 ss:$0x1], $0xffff  }
0x193: {  	v10 =	vadd.f32 v32, v10;
	v25 =	vadd.f32 v29, v9;
	v9 =	vld.idx.msk [tilespmem:v15+s9+$0x170 ss:$0x1], $0xffff;
	s9 =	sadd.s32 $0x200, s9  }
.LBB2_19:
0x194: {  	v12 =	vadd.f32 v18, v12;
	v11 =	vadd.f32 v19, v11  }
0x195: {  	v10 =	vadd.f32 v20, v10;
	v15 =	vadd.f32 v22, v25  }
0x196: {  	v12 =	vadd.f32 v16, v12;
	v11 =	vadd.f32 v17, v11  }
0x197: {  	v10 =	vadd.f32 v21, v10;
	v15 =	vadd.f32 v23, v15  }
0x198: {  	v12 =	vadd.f32 v13, v12;
	v11 =	vadd.f32 v14, v11  }
0x199: {  	v10 =	vadd.f32 v24, v10;
	v9 =	vadd.f32 v9, v15  }
.LBB2_20:
0x19a: {  	p1 =	sge.s32 s14, s5  }
.Ltmp20:
0x19b: {  	_ = 	snop;
	(pc) =	sbr.rel @p1 .LBB2_23-.Ltmp20, $1  }
0x19c: {  	_ =	sdelay $0x3  }
0x19d: {  	p1 =	slt.s32 s16, s26;
	s9 =	smov.u32 s26  }
0x19e: {  	s9 =	smov.u32 @p1 s16  }
0x19f: {  	s8 =	ssub.s32 s8, s12;
	s9 =	sadd.s32 s9, s28  }
0x1a0: {  	s9 =	ssub.s32 s9, s8  }
0x1a1: {  	s9 =	sshll.u32 s9, $0x9  }
0x1a2: {  	s9 =	sshra.s32 s9, $0x2  }
0x1a3: {  	s9 =	sadd.s32 $0x96C0, s9  }
.LBB2_22:
0x1a4: {  	v13 =	vld [tilespmem:s9+$0xFFFFFFC0]  }
0x1a5: {  	v14 =	vld [tilespmem:s9+$0xFFFFFFD0]  }
0x1a6: {  	v15 =	vld [tilespmem:s9+$0xFFFFFFE0]  }
0x1a7: {  	v16 =	vld [tilespmem:s9+$0xFFFFFFF0]  }
0x1a8: {  	v17 =	vld [tilespmem:s9+$0x0]  }
0x1a9: {  	v18 =	vld [tilespmem:s9+$0x10]  }
0x1aa: {  	v19 =	vld [tilespmem:s9+$0x20]  }
0x1ab: {  	v20 =	vld [tilespmem:s9+$0x30];
	p1 =	sne.s32 s8, $0x1  }
.Ltmp21:
0x1ac: {  	_ = 	snop;
	(pc) =	sbr.rel @p1 .LBB2_22-.Ltmp21, $4  }
0x1ad: {  	v8 =	vadd.f32 v13, v8;
	v7 =	vadd.f32 v14, v7  }
0x1ae: {  	v6 =	vadd.f32 v15, v6;
	v5 =	vadd.f32 v16, v5  }
0x1af: {  	v12 =	vadd.f32 v17, v12;
	v11 =	vadd.f32 v18, v11  }
0x1b0: {  	s9 =	sadd.s32 $0x80, s9;
	s8 =	sadd.s32 $0xFFFFFFFF, s8;
	v10 =	vadd.f32 v19, v10;
	v9 =	vadd.f32 v20, v9  }
.Ltmp22:
0x1b1: {  	_ = 	snop;
	(pc) =	sbr.rel .LBB2_23-.Ltmp22, $1  }
0x1b2: {  	_ =	sdelay $0x3  }
.LBB2_26:
0x1b3: {  	_ =	sfence.sel $0x180000  }
0x1b4: {  	[bflag:$0x0] =	sbarrier.arrive $0xFFFF  }
0x1b5: {  	_ =	strace $0x90000047  }
0x1b6: {  	s0 =	stileid.u32;
	[bflag:$0x2] =	sbarrier.arrive $0xFFFF  }
0x1b7: {  	p0 =	sne.s32 s0, $0x0;
	s0 =	rddreg [dreg:$0x5]  }
0x1b8: {  	s0 =	sadd.s32 @!p0 $0x100000, s0  }
0x1b9: {  	[sflag:s0] =	ssyncadd.tile.s32 @!p0 $0x1;
	_ =	shalt  }
.Lfunc_end2:
_tile_overlayer_lowered:
.L_overlay_start_2:
0x1ba: {  	(tag) =	ssettag $0x2  }
0x1bb: {  	s0 =	rddreg [dreg:$0x0];
	s2 =	stileid.u32  }
0x1bc: {  	s1 =	rddreg [dreg:$0x1];
	p0 =	sne.s32 s2, $0x0  }
0x1bd: {  	s3 =	rddreg [dreg:$0x2];
	[bflag:$0x3] =	sbarrier.arrive $0xFFFF;
	s2 =	simm.s32 @!p0 $0x1C04  }
0x1be: {  	[timem:s3], [sflag:s2] =	dma.local @!p0 [hbm:s0], s1  }
0x1bf: {  	s0 =	simm.s32 @!p0 $0x4  }
0x1c0: {  	_ =	swait.ge @!p0 [sflag:s0], s1  }
0x1c1: {  	s1 =	ssub.s32 @!p0 $0x0, s1;
	[sflag:s0] =	ssyncset.done @!p0 $0x0  }
0x1c2: {  	[sflag:s0] =	ssyncadd.s32 @!p0 s1  }
0x1c3: {  	[bflag:$0x3] =	sbarrier.arrive $0xFFFF  }
0x1c4: {  	_ =	shalt  }

</sc_bundles>
